<compile_context>
chip_gen: v7x
topology: tpu7x:2x2x1
jax: 0.10.2.dev20260603
libtpu: 0.0.44.dev20260713+nightly
codegen_flags: <defaults>
</compile_context>

<pallas_src>
import functools

import jax
import jax.numpy as jnp
from jax import lax
from jax.experimental import pallas as pl
from jax.experimental.pallas import tpu as pltpu
from jax.experimental.pallas import tpu_sc as plsc

N = 10000
E = 320000
NC = 2
NS = 16
NW = NC * NS
CHUNK = 80
NCHUNKS = E // CHUNK
CPT = NCHUNKS // NW
EPW = E // NW
PAIRS = CPT // 2
ROWS_PER_TILE = 624
TAIL_ROWS = N - NS * ROWS_PER_TILE

MB = 2000

_MESH = plsc.VectorSubcoreMesh(core_axis_name="c", subcore_axis_name="s",
                               num_cores=NC, num_subcores=NS)


def _row_copy(mk_src, mk_dst, sid):
    rb = sid * ROWS_PER_TILE
    pltpu.sync_copy(mk_src(rb, ROWS_PER_TILE), mk_dst(rb, ROWS_PER_TILE))

    @pl.when(sid == 0)
    def _():
        base = NS * ROWS_PER_TILE
        pltpu.sync_copy(mk_src(base, TAIL_ROWS), mk_dst(base, TAIL_ROWS))


@functools.partial(
    pl.kernel,
    mesh=_MESH,
    out_type=jax.ShapeDtypeStruct((NC, N, 16), jnp.float32),
    scratch_types=[
        pltpu.VMEM((EPW,), jnp.int32),
        pltpu.VMEM((CHUNK, 16), jnp.float32),
        pltpu.VMEM_SHARED((N, 16), jnp.float32),
        pltpu.SemaphoreType.DMA,
    ],
    compiler_params=pltpu.CompilerParams(use_tc_tiling_on_sc=False),
)
def _deg_kernel(ei_hbm, ones_hbm, zeros_hbm, out_hbm, didx, ones_v, acc,
                dsem):
    cid = lax.axis_index("c")
    sid = lax.axis_index("s")
    w = sid * NC + cid
    pltpu.sync_copy(ones_hbm, ones_v)
    pltpu.sync_copy(ei_hbm.at[1, pl.ds(EPW * w, EPW)], didx)
    _row_copy(lambda o, s: zeros_hbm.at[pl.ds(o, s)],
              lambda o, s: acc.at[pl.ds(o, s)], sid)
    plsc.subcore_barrier()

    @pl.loop(0, CPT)
    def _(i):
        pltpu.async_copy(ones_v, acc.at[didx.at[pl.ds(i * CHUNK, CHUNK)]],
                         dsem, add=True)

    @pl.loop(0, CPT)
    def _(i):
        pltpu.make_async_copy(ones_v, acc.at[didx.at[pl.ds(0, CHUNK)]],
                              dsem).wait()

    plsc.subcore_barrier()
    _row_copy(lambda o, s: acc.at[pl.ds(o, s)],
              lambda o, s: out_hbm.at[cid, pl.ds(o, s)], sid)


def _make_agg(C):
    @functools.partial(
        pl.kernel,
        mesh=_MESH,
        out_type=jax.ShapeDtypeStruct((NC, N, C), jnp.bfloat16),
        scratch_types=[
            pltpu.VMEM((EPW,), jnp.int32),
            pltpu.VMEM((EPW,), jnp.int32),
            pltpu.VMEM((CHUNK, C), jnp.bfloat16),
            pltpu.VMEM((CHUNK, C), jnp.bfloat16),
            pltpu.VMEM((CHUNK, C), jnp.bfloat16),
            pltpu.VMEM((CHUNK, C), jnp.bfloat16),
            pltpu.VMEM_SHARED((N, C), jnp.bfloat16),
            pltpu.SemaphoreType.DMA,
            pltpu.SemaphoreType.DMA,
            pltpu.SemaphoreType.DMA,
            pltpu.SemaphoreType.DMA,
            pltpu.SemaphoreType.DMA,
            pltpu.SemaphoreType.DMA,
            pltpu.SemaphoreType.DMA,
            pltpu.SemaphoreType.DMA,
        ],
        compiler_params=pltpu.CompilerParams(use_tc_tiling_on_sc=False),
    )
    def agg_kernel(z_hbm, ei_hbm, zeros_hbm, out_hbm,
                   sidx, didx, rows0, rows1, rows2, rows3, acc,
                   gsem0, gsem1, gsem2, gsem3, ssem0, ssem1, ssem2, ssem3):
        cid = lax.axis_index("c")
        sid = lax.axis_index("s")
        w = sid * NC + cid
        pltpu.sync_copy(ei_hbm.at[0, pl.ds(EPW * w, EPW)], sidx)
        pltpu.sync_copy(ei_hbm.at[1, pl.ds(EPW * w, EPW)], didx)
        _row_copy(lambda o, s: zeros_hbm.at[pl.ds(o, s)],
                  lambda o, s: acc.at[pl.ds(o, s)], sid)
        plsc.subcore_barrier()

        rows = (rows0, rows1, rows2, rows3)
        gsems = (gsem0, gsem1, gsem2, gsem3)
        ssems = (ssem0, ssem1, ssem2, ssem3)

        def gather(i, b):
            pltpu.async_copy(z_hbm.at[sidx.at[pl.ds(i * CHUNK, CHUNK)]],
                             rows[b], gsems[b])

        def wait_g(b):
            pltpu.make_async_copy(z_hbm.at[pl.ds(0, CHUNK)],
                                  rows[b], gsems[b]).wait()

        def scat(i, b):
            pltpu.async_copy(rows[b], acc.at[didx.at[pl.ds(i * CHUNK, CHUNK)]],
                             ssems[b], add=True)

        def wait_s(b):
            pltpu.make_async_copy(rows[b], acc.at[didx.at[pl.ds(0, CHUNK)]],
                                  ssems[b]).wait()

        for b in range(4):
            gather(b, b)

        QUADS = CPT // 4

        @pl.loop(0, QUADS)
        def _(j):
            i0 = 4 * j
            for b in range(4):
                wait_g(b)
                scat(i0 + b, b)
            for b in range(4):
                @pl.when(j < QUADS - 1)
                def _(b=b):
                    wait_s(b)
                    gather(i0 + 4 + b, b)

        wait_s(0)
        gather(CPT - 1, 0)
        wait_g(0)
        scat(CPT - 1, 0)
        wait_s(0)
        wait_s(1)
        wait_s(2)
        wait_s(3)

        plsc.subcore_barrier()
        _row_copy(lambda o, s: acc.at[pl.ds(o, s)],
                  lambda o, s: out_hbm.at[cid, pl.ds(o, s)], sid)

    return agg_kernel


_agg128 = _make_agg(128)
_agg64 = _make_agg(64)


def _dinv_block(degp):
    deg = degp[0, :, 0:1] + degp[1, :, 0:1] + 1.0
    return lax.rsqrt(deg)


def _mm_scale_body(x_ref, w_ref, degp_ref, o_ref):
    o_ref[...] = (jnp.dot(x_ref[...], w_ref[...],
                          preferred_element_type=jnp.float32)
                  * _dinv_block(degp_ref[...])).astype(jnp.bfloat16)


def _tc_mm_scale(x, W, degp):
    return pl.pallas_call(
        _mm_scale_body,
        grid=(N // MB,),
        in_specs=[
            pl.BlockSpec((MB, x.shape[1]), lambda i: (i, 0)),
            pl.BlockSpec(W.shape, lambda i: (0, 0)),
            pl.BlockSpec((NC, MB, 16), lambda i: (0, i, 0)),
        ],
        out_specs=pl.BlockSpec((MB, W.shape[1]), lambda i: (i, 0)),
        out_shape=jax.ShapeDtypeStruct((N, W.shape[1]), jnp.bfloat16),
    )(x, W, degp)


def _layer2_body(z1_ref, p_ref, degp_ref, b1_ref, w2_ref, o_ref):
    dinv = _dinv_block(degp_ref[...])
    agg = (z1_ref[...].astype(jnp.float32) + p_ref[0].astype(jnp.float32)
           + p_ref[1].astype(jnp.float32))
    h = jnp.maximum(agg * dinv + b1_ref[...], 0.0)
    o_ref[...] = (jnp.dot(h, w2_ref[...],
                          preferred_element_type=jnp.float32)
                  * dinv).astype(jnp.bfloat16)


def _tc_layer2(z1, p, degp, b1, W2):
    return pl.pallas_call(
        _layer2_body,
        grid=(N // MB,),
        in_specs=[
            pl.BlockSpec((MB, 128), lambda i: (i, 0)),
            pl.BlockSpec((NC, MB, 128), lambda i: (0, i, 0)),
            pl.BlockSpec((NC, MB, 16), lambda i: (0, i, 0)),
            pl.BlockSpec((1, 128), lambda i: (0, 0)),
            pl.BlockSpec((128, 64), lambda i: (0, 0)),
        ],
        out_specs=pl.BlockSpec((MB, 64), lambda i: (i, 0)),
        out_shape=jax.ShapeDtypeStruct((N, 64), jnp.bfloat16),
    )(z1, p, degp, b1, W2)


def _final_body(z2_ref, q_ref, degp_ref, b2_ref, o_ref):
    dinv = _dinv_block(degp_ref[...])
    out2 = (z2_ref[...].astype(jnp.float32) + q_ref[0].astype(jnp.float32)
            + q_ref[1].astype(jnp.float32)) * dinv + b2_ref[...]
    m = jnp.max(out2, axis=1, keepdims=True)
    e = out2 - m
    lse = jnp.log(jnp.sum(jnp.exp(e), axis=1, keepdims=True))
    o_ref[...] = e - lse


def _tc_final(z2, q, degp, b2):
    return pl.pallas_call(
        _final_body,
        grid=(N // MB,),
        in_specs=[
            pl.BlockSpec((MB, 64), lambda i: (i, 0)),
            pl.BlockSpec((NC, MB, 64), lambda i: (0, i, 0)),
            pl.BlockSpec((NC, MB, 16), lambda i: (0, i, 0)),
            pl.BlockSpec((1, 64), lambda i: (0, 0)),
        ],
        out_specs=pl.BlockSpec((MB, 64), lambda i: (i, 0)),
        out_shape=jax.ShapeDtypeStruct((N, 64), jnp.float32),
    )(z2, q, degp, b2)


def kernel(x, edge_index, W1, b1, W2, b2):
    ones16 = jnp.ones((CHUNK, 16), jnp.float32)
    zeros16 = jnp.zeros((N, 16), jnp.float32)
    zeros128 = jnp.zeros((N, 128), jnp.bfloat16)
    zeros64 = jnp.zeros((N, 64), jnp.bfloat16)

    degp = _deg_kernel(edge_index, ones16, zeros16)
    z1 = _tc_mm_scale(x, W1, degp)
    p = _agg128(z1, edge_index, zeros128)
    z2 = _tc_layer2(z1, p, degp, b1.reshape(1, 128), W2)
    q = _agg64(z2, edge_index, zeros64)
    return _tc_final(z2, q, degp, b2.reshape(1, 64))

# --- scband reference (transcript-rebuilt; emitter-appended) ---
"""Pipeline reference for scband-graph-cnn-73495480369486 (READ-ONLY COPY).

The authoritative reference and input builder live on the scoring server;
editing this copy changes nothing except your own understanding.
"""

import jax, jax.numpy as jnp
import numpy as np

N_NODES = 10000
N_EDGES = 320000
IN_C = 128
HID_C = 128
OUT_C = 64


def gcn_conv(x, edge_index, W, b):
    # GCNConv: out = D^{-1/2} (A + I) D^{-1/2} X W + b
    n = x.shape[0]
    loops = jnp.arange(n, dtype=edge_index.dtype)
    src = jnp.concatenate([edge_index[0], loops])
    dst = jnp.concatenate([edge_index[1], loops])
    deg = jnp.zeros((n,), jnp.float32).at[dst].add(1.0)
    dinv = jnp.where(deg > 0, 1.0 / jnp.sqrt(deg), 0.0)
    norm = dinv[src] * dinv[dst]
    xw = x @ W
    msg = xw[src] * norm[:, None]
    out = jnp.zeros((n, W.shape[1]), jnp.float32).at[dst].add(msg)
    return out + b


def setup_inputs(seed: int = 0) -> dict:
    key = jax.random.key(seed)
    k1, k2, k3, k4 = jax.random.split(key, 4)
    x = jax.random.normal(k1, (N_NODES, IN_C), dtype=jnp.float32)
    edge_index = jax.random.randint(k2, (2, N_EDGES), 0, N_NODES, dtype=jnp.int32)
    W1 = jax.random.normal(k3, (IN_C, HID_C), dtype=jnp.float32) * 0.05
    b1 = jnp.zeros((HID_C,), dtype=jnp.float32)
    W2 = jax.random.normal(k4, (HID_C, OUT_C), dtype=jnp.float32) * 0.05
    b2 = jnp.zeros((OUT_C,), dtype=jnp.float32)
    return {"x": x, "edge_index": edge_index, "W1": W1, "b1": b1, "W2": W2, "b2": b2}


def reference(x, edge_index, W1, b1, W2, b2):
    hid = gcn_conv(x, edge_index, W1, b1)
    hid = jax.nn.relu(hid)
    out = gcn_conv(hid, edge_index, W2, b2)
    return jax.nn.log_softmax(out, axis=1)

if __name__ == "__main__":
    import jax
    _d = setup_inputs()
    print(jax.jit(kernel)(*tuple(_d.values())))

</pallas_src>

<mosaic_0001>
#map = affine_map<(d0, d1) -> (0, 0)>
#map1 = affine_map<(d0, d1) -> (0, 0, 0)>
module attributes {stable_mosaic.version = 14 : i64} {
  func.func @agg_kernel(%arg0: i32, %arg1: i32, %arg2: memref<10000x128xbf16, #tpu.memory_space<hbm>>, %arg3: memref<2x320000xi32, #tpu.memory_space<hbm>>, %arg4: memref<10000x128xbf16, #tpu.memory_space<hbm>>, %arg5: memref<2x10000x128xbf16, #tpu.memory_space<hbm>>, %arg6: memref<10000xi32, #tpu.memory_space<vmem>>, %arg7: memref<10000xi32, #tpu.memory_space<vmem>>, %arg8: memref<80x128xbf16, #tpu.memory_space<vmem>>, %arg9: memref<80x128xbf16, #tpu.memory_space<vmem>>, %arg10: memref<80x128xbf16, #tpu.memory_space<vmem>>, %arg11: memref<80x128xbf16, #tpu.memory_space<vmem>>, %arg12: memref<10000x128xbf16, #tpu.memory_space<vmem_shared>>, %arg13: memref<!tpu.dma_semaphore, #tpu.memory_space<semaphore_mem>>, %arg14: memref<!tpu.dma_semaphore, #tpu.memory_space<semaphore_mem>>, %arg15: memref<!tpu.dma_semaphore, #tpu.memory_space<semaphore_mem>>, %arg16: memref<!tpu.dma_semaphore, #tpu.memory_space<semaphore_mem>>, %arg17: memref<!tpu.dma_semaphore, #tpu.memory_space<semaphore_mem>>, %arg18: memref<!tpu.dma_semaphore, #tpu.memory_space<semaphore_mem>>, %arg19: memref<!tpu.dma_semaphore, #tpu.memory_space<semaphore_mem>>, %arg20: memref<!tpu.dma_semaphore, #tpu.memory_space<semaphore_mem>>) attributes {dimension_semantics = [#tpu.dimension_semantics<core_parallel>, #tpu.dimension_semantics<subcore_parallel>], iteration_bounds = array<i64: 2, 16>, scalar_prefetch = 0 : i64, scratch_operands = 15 : i64, tpu.core_type = #tpu.core_type<sc_vector_subcore>, window_params = [{transform_indices = #map}, {transform_indices = #map}, {transform_indices = #map}, {transform_indices = #map1}]} {
    %mul3A = arith.constant 2 : i32
    %mul3A_0 = arith.muli %arg1, %mul3A : i32
    %add3A = arith.addi %mul3A_0, %arg0 : i32
    %mul3A_1 = arith.constant 10000 : i32
    %mul3A_2 = arith.muli %mul3A_1, %add3A : i32
    %run_scoped3A = arith.constant 0 : i32
    "tpu.region"() ({
      %run_scoped3A_81 = tpu.sem_alloc : memref<!tpu.dma_semaphore, #tpu.memory_space<semaphore_mem>>
      %dma_start3A_82 = tpu.memref_slice %arg3[%run_scoped3A, %mul3A_2] : memref<2x320000xi32, #tpu.memory_space<hbm>> -> memref<1x10000xi32, #tpu.memory_space<hbm>>
      %dma_start3A_83 = tpu.memref_squeeze %dma_start3A_82 : memref<1x10000xi32, #tpu.memory_space<hbm>> -> memref<10000xi32, #tpu.memory_space<hbm>>
      %dma_start3A_84 = tpu.memref_slice %arg3[%run_scoped3A, %mul3A_2] : memref<2x320000xi32, #tpu.memory_space<hbm>> -> memref<1x10000xi32, #tpu.memory_space<hbm>>
      %dma_start3A_85 = tpu.memref_squeeze %dma_start3A_84 : memref<1x10000xi32, #tpu.memory_space<hbm>> -> memref<10000xi32, #tpu.memory_space<hbm>>
      tpu.enqueue_dma source(%dma_start3A_85 : memref<10000xi32, #tpu.memory_space<hbm>>) target(%arg6 : memref<10000xi32, #tpu.memory_space<vmem>>) target_semaphore(%run_scoped3A_81 : memref<!tpu.dma_semaphore, #tpu.memory_space<semaphore_mem>>)
      %dma_wait3A_86 = tpu.memref_slice %arg3[%run_scoped3A, %mul3A_2] : memref<2x320000xi32, #tpu.memory_space<hbm>> -> memref<1x10000xi32, #tpu.memory_space<hbm>>
      %dma_wait3A_87 = tpu.memref_squeeze %dma_wait3A_86 : memref<1x10000xi32, #tpu.memory_space<hbm>> -> memref<10000xi32, #tpu.memory_space<hbm>>
      %dma_wait3A_88 = tpu.memref_slice %arg3[%run_scoped3A, %mul3A_2] : memref<2x320000xi32, #tpu.memory_space<hbm>> -> memref<1x10000xi32, #tpu.memory_space<hbm>>
      %dma_wait3A_89 = tpu.memref_squeeze %dma_wait3A_88 : memref<1x10000xi32, #tpu.memory_space<hbm>> -> memref<10000xi32, #tpu.memory_space<hbm>>
      tpu.wait_dma2 semaphore(%run_scoped3A_81 : memref<!tpu.dma_semaphore, #tpu.memory_space<semaphore_mem>>) src(%dma_wait3A_89 : memref<10000xi32, #tpu.memory_space<hbm>>) dst(%arg6 : memref<10000xi32, #tpu.memory_space<vmem>>)
      tpu.yield
    }) : () -> ()
    %mul3A_3 = arith.constant 10000 : i32
    %mul3A_4 = arith.muli %mul3A_3, %add3A : i32
    %run_scoped3A_5 = arith.constant 1 : i32
    "tpu.region"() ({
      %run_scoped3A_81 = tpu.sem_alloc : memref<!tpu.dma_semaphore, #tpu.memory_space<semaphore_mem>>
      %dma_start3A_82 = tpu.memref_slice %arg3[%run_scoped3A_5, %mul3A_4] : memref<2x320000xi32, #tpu.memory_space<hbm>> -> memref<1x10000xi32, #tpu.memory_space<hbm>>
      %dma_start3A_83 = tpu.memref_squeeze %dma_start3A_82 : memref<1x10000xi32, #tpu.memory_space<hbm>> -> memref<10000xi32, #tpu.memory_space<hbm>>
      %dma_start3A_84 = tpu.memref_slice %arg3[%run_scoped3A_5, %mul3A_4] : memref<2x320000xi32, #tpu.memory_space<hbm>> -> memref<1x10000xi32, #tpu.memory_space<hbm>>
      %dma_start3A_85 = tpu.memref_squeeze %dma_start3A_84 : memref<1x10000xi32, #tpu.memory_space<hbm>> -> memref<10000xi32, #tpu.memory_space<hbm>>
      tpu.enqueue_dma source(%dma_start3A_85 : memref<10000xi32, #tpu.memory_space<hbm>>) target(%arg7 : memref<10000xi32, #tpu.memory_space<vmem>>) target_semaphore(%run_scoped3A_81 : memref<!tpu.dma_semaphore, #tpu.memory_space<semaphore_mem>>)
      %dma_wait3A_86 = tpu.memref_slice %arg3[%run_scoped3A_5, %mul3A_4] : memref<2x320000xi32, #tpu.memory_space<hbm>> -> memref<1x10000xi32, #tpu.memory_space<hbm>>
      %dma_wait3A_87 = tpu.memref_squeeze %dma_wait3A_86 : memref<1x10000xi32, #tpu.memory_space<hbm>> -> memref<10000xi32, #tpu.memory_space<hbm>>
      %dma_wait3A_88 = tpu.memref_slice %arg3[%run_scoped3A_5, %mul3A_4] : memref<2x320000xi32, #tpu.memory_space<hbm>> -> memref<1x10000xi32, #tpu.memory_space<hbm>>
      %dma_wait3A_89 = tpu.memref_squeeze %dma_wait3A_88 : memref<1x10000xi32, #tpu.memory_space<hbm>> -> memref<10000xi32, #tpu.memory_space<hbm>>
      tpu.wait_dma2 semaphore(%run_scoped3A_81 : memref<!tpu.dma_semaphore, #tpu.memory_space<semaphore_mem>>) src(%dma_wait3A_89 : memref<10000xi32, #tpu.memory_space<hbm>>) dst(%arg7 : memref<10000xi32, #tpu.memory_space<vmem>>)
      tpu.yield
    }) : () -> ()
    %mul3A_6 = arith.constant 624 : i32
    %mul3A_7 = arith.muli %arg1, %mul3A_6 : i32
    "tpu.region"() ({
      %run_scoped3A_81 = tpu.sem_alloc : memref<!tpu.dma_semaphore, #tpu.memory_space<semaphore_mem>>
      %dma_start3A_82 = arith.constant 0 : i32
      %dma_start3A_83 = tpu.memref_slice %arg12[%mul3A_7, %dma_start3A_82] : memref<10000x128xbf16, #tpu.memory_space<vmem_shared>> -> memref<624x128xbf16, #tpu.memory_space<vmem_shared>>
      %dma_start3A_84 = arith.constant 0 : i32
      %dma_start3A_85 = tpu.memref_slice %arg4[%mul3A_7, %dma_start3A_84] : memref<10000x128xbf16, #tpu.memory_space<hbm>> -> memref<624x128xbf16, #tpu.memory_space<hbm>>
      tpu.enqueue_dma source(%dma_start3A_85 : memref<624x128xbf16, #tpu.memory_space<hbm>>) target(%dma_start3A_83 : memref<624x128xbf16, #tpu.memory_space<vmem_shared>>) target_semaphore(%run_scoped3A_81 : memref<!tpu.dma_semaphore, #tpu.memory_space<semaphore_mem>>)
      %dma_wait3A_86 = arith.constant 0 : i32
      %dma_wait3A_87 = tpu.memref_slice %arg12[%mul3A_7, %dma_wait3A_86] : memref<10000x128xbf16, #tpu.memory_space<vmem_shared>> -> memref<624x128xbf16, #tpu.memory_space<vmem_shared>>
      %dma_wait3A_88 = arith.constant 0 : i32
      %dma_wait3A_89 = tpu.memref_slice %arg4[%mul3A_7, %dma_wait3A_88] : memref<10000x128xbf16, #tpu.memory_space<hbm>> -> memref<624x128xbf16, #tpu.memory_space<hbm>>
      tpu.wait_dma2 semaphore(%run_scoped3A_81 : memref<!tpu.dma_semaphore, #tpu.memory_space<semaphore_mem>>) src(%dma_wait3A_89 : memref<624x128xbf16, #tpu.memory_space<hbm>>) dst(%dma_wait3A_87 : memref<624x128xbf16, #tpu.memory_space<vmem_shared>>)
      tpu.yield
    }) : () -> ()
    %eq3A = arith.constant 0 : i32
    %eq3A_8 = arith.cmpi eq, %arg1, %eq3A : i32
    %convert_element_type3A = arith.extui %eq3A_8 : i1 to i32
    %cond3A = arith.constant 0 : i32
    %cond3A_9 = arith.cmpi ne, %convert_element_type3A, %cond3A : i32
    scf.if %cond3A_9 {
      "tpu.region"() ({
        %run_scoped3A_81 = tpu.sem_alloc : memref<!tpu.dma_semaphore, #tpu.memory_space<semaphore_mem>>
        %dma_start3A_82 = arith.constant 9984 : i32
        %dma_start3A_83 = arith.constant 0 : i32
        %dma_start3A_84 = tpu.memref_slice %arg12[%dma_start3A_82, %dma_start3A_83] : memref<10000x128xbf16, #tpu.memory_space<vmem_shared>> -> memref<16x128xbf16, #tpu.memory_space<vmem_shared>>
        %dma_start3A_85 = arith.constant 9984 : i32
        %dma_start3A_86 = arith.constant 0 : i32
        %dma_start3A_87 = tpu.memref_slice %arg4[%dma_start3A_85, %dma_start3A_86] : memref<10000x128xbf16, #tpu.memory_space<hbm>> -> memref<16x128xbf16, #tpu.memory_space<hbm>>
        tpu.enqueue_dma source(%dma_start3A_87 : memref<16x128xbf16, #tpu.memory_space<hbm>>) target(%dma_start3A_84 : memref<16x128xbf16, #tpu.memory_space<vmem_shared>>) target_semaphore(%run_scoped3A_81 : memref<!tpu.dma_semaphore, #tpu.memory_space<semaphore_mem>>)
        %dma_wait3A_88 = arith.constant 9984 : i32
        %dma_wait3A_89 = arith.constant 0 : i32
        %dma_wait3A_90 = tpu.memref_slice %arg12[%dma_wait3A_88, %dma_wait3A_89] : memref<10000x128xbf16, #tpu.memory_space<vmem_shared>> -> memref<16x128xbf16, #tpu.memory_space<vmem_shared>>
        %dma_wait3A_91 = arith.constant 9984 : i32
        %dma_wait3A_92 = arith.constant 0 : i32
        %dma_wait3A_93 = tpu.memref_slice %arg4[%dma_wait3A_91, %dma_wait3A_92] : memref<10000x128xbf16, #tpu.memory_space<hbm>> -> memref<16x128xbf16, #tpu.memory_space<hbm>>
        tpu.wait_dma2 semaphore(%run_scoped3A_81 : memref<!tpu.dma_semaphore, #tpu.memory_space<semaphore_mem>>) src(%dma_wait3A_93 : memref<16x128xbf16, #tpu.memory_space<hbm>>) dst(%dma_wait3A_90 : memref<16x128xbf16, #tpu.memory_space<vmem_shared>>)
        tpu.yield
      }) : () -> ()
    } else {
    }
    %barrier3A = arith.constant 0 : index
    tpu.barrier barrier_id(%barrier3A)
    %dma_start3A = arith.constant 0 : i32
    %dma_start3A_10 = tpu.memref_slice %arg6[%dma_start3A] : memref<10000xi32, #tpu.memory_space<vmem>> -> memref<80xi32, #tpu.memory_space<vmem>>
    %dma_start3A_11 = arith.constant 0 : i32
    %dma_start3A_12 = arith.constant 0 : i32
    %dma_start3A_13 = tpu.memref_slice %arg2[%dma_start3A_11, %dma_start3A_12] : memref<10000x128xbf16, #tpu.memory_space<hbm>> -> memref<10000x128xbf16, #tpu.memory_space<hbm>>
    tpu.enqueue_indirect_dma source(%dma_start3A_13 : memref<10000x128xbf16, #tpu.memory_space<hbm>>) target(%arg8 : memref<80x128xbf16, #tpu.memory_space<vmem>>) offsets(%dma_start3A_10 : memref<80xi32, #tpu.memory_space<vmem>>) semaphore(%arg13 : memref<!tpu.dma_semaphore, #tpu.memory_space<semaphore_mem>>)
    %dma_start3A_14 = arith.constant 80 : i32
    %dma_start3A_15 = tpu.memref_slice %arg6[%dma_start3A_14] : memref<10000xi32, #tpu.memory_space<vmem>> -> memref<80xi32, #tpu.memory_space<vmem>>
    %dma_start3A_16 = arith.constant 0 : i32
    %dma_start3A_17 = arith.constant 0 : i32
    %dma_start3A_18 = tpu.memref_slice %arg2[%dma_start3A_16, %dma_start3A_17] : memref<10000x128xbf16, #tpu.memory_space<hbm>> -> memref<10000x128xbf16, #tpu.memory_space<hbm>>
    tpu.enqueue_indirect_dma source(%dma_start3A_18 : memref<10000x128xbf16, #tpu.memory_space<hbm>>) target(%arg9 : memref<80x128xbf16, #tpu.memory_space<vmem>>) offsets(%dma_start3A_15 : memref<80xi32, #tpu.memory_space<vmem>>) semaphore(%arg14 : memref<!tpu.dma_semaphore, #tpu.memory_space<semaphore_mem>>)
    %dma_start3A_19 = arith.constant 160 : i32
    %dma_start3A_20 = tpu.memref_slice %arg6[%dma_start3A_19] : memref<10000xi32, #tpu.memory_space<vmem>> -> memref<80xi32, #tpu.memory_space<vmem>>
    %dma_start3A_21 = arith.constant 0 : i32
    %dma_start3A_22 = arith.constant 0 : i32
    %dma_start3A_23 = tpu.memref_slice %arg2[%dma_start3A_21, %dma_start3A_22] : memref<10000x128xbf16, #tpu.memory_space<hbm>> -> memref<10000x128xbf16, #tpu.memory_space<hbm>>
    tpu.enqueue_indirect_dma source(%dma_start3A_23 : memref<10000x128xbf16, #tpu.memory_space<hbm>>) target(%arg10 : memref<80x128xbf16, #tpu.memory_space<vmem>>) offsets(%dma_start3A_20 : memref<80xi32, #tpu.memory_space<vmem>>) semaphore(%arg15 : memref<!tpu.dma_semaphore, #tpu.memory_space<semaphore_mem>>)
    %dma_start3A_24 = arith.constant 240 : i32
    %dma_start3A_25 = tpu.memref_slice %arg6[%dma_start3A_24] : memref<10000xi32, #tpu.memory_space<vmem>> -> memref<80xi32, #tpu.memory_space<vmem>>
    %dma_start3A_26 = arith.constant 0 : i32
    %dma_start3A_27 = arith.constant 0 : i32
    %dma_start3A_28 = tpu.memref_slice %arg2[%dma_start3A_26, %dma_start3A_27] : memref<10000x128xbf16, #tpu.memory_space<hbm>> -> memref<10000x128xbf16, #tpu.memory_space<hbm>>
    tpu.enqueue_indirect_dma source(%dma_start3A_28 : memref<10000x128xbf16, #tpu.memory_space<hbm>>) target(%arg11 : memref<80x128xbf16, #tpu.memory_space<vmem>>) offsets(%dma_start3A_25 : memref<80xi32, #tpu.memory_space<vmem>>) semaphore(%arg16 : memref<!tpu.dma_semaphore, #tpu.memory_space<semaphore_mem>>)
    %scan3A = arith.constant 0 : i32
    %scan3A_29 = arith.constant 31 : i32
    %scan3A_30 = arith.addi %scan3A, %scan3A_29 : i32
    %scan3A_31 = arith.constant 1 : i32
    scf.for %scan3A_81 = %scan3A to %scan3A_30 step %scan3A_31  : i32 {
      %mul3A_82 = arith.constant 1 : i32
      %mul3A_83 = arith.muli %scan3A_81, %mul3A_82 : i32
      %add3A_84 = arith.constant 0 : i32
      %add3A_85 = arith.addi %add3A_84, %mul3A_83 : i32
      %mul3A_86 = arith.constant 4 : i32
      %mul3A_87 = arith.muli %mul3A_86, %add3A_85 : i32
      %dma_wait3A_88 = arith.constant 0 : i32
      %dma_wait3A_89 = arith.constant 0 : i32
      %dma_wait3A_90 = tpu.memref_slice %arg2[%dma_wait3A_88, %dma_wait3A_89] : memref<10000x128xbf16, #tpu.memory_space<hbm>> -> memref<80x128xbf16, #tpu.memory_space<hbm>>
      %dma_wait3A_91 = arith.constant 0 : i32
      %dma_wait3A_92 = arith.constant 0 : i32
      %dma_wait3A_93 = tpu.memref_slice %arg2[%dma_wait3A_91, %dma_wait3A_92] : memref<10000x128xbf16, #tpu.memory_space<hbm>> -> memref<80x128xbf16, #tpu.memory_space<hbm>>
      tpu.wait_dma2 semaphore(%arg13 : memref<!tpu.dma_semaphore, #tpu.memory_space<semaphore_mem>>) src(%dma_wait3A_93 : memref<80x128xbf16, #tpu.memory_space<hbm>>) dst(%arg8 : memref<80x128xbf16, #tpu.memory_space<vmem>>)
      %add3A_94 = arith.constant 0 : i32
      %add3A_95 = arith.addi %mul3A_87, %add3A_94 : i32
      %mul3A_96 = arith.constant 80 : i32
      %mul3A_97 = arith.muli %add3A_95, %mul3A_96 : i32
      %dma_start3A_98 = tpu.memref_slice %arg7[%mul3A_97] : memref<10000xi32, #tpu.memory_space<vmem>> -> memref<80xi32, #tpu.memory_space<vmem>>
      %dma_start3A_99 = arith.constant 0 : i32
      %dma_start3A_100 = arith.constant 0 : i32
      %dma_start3A_101 = tpu.memref_slice %arg12[%dma_start3A_99, %dma_start3A_100] : memref<10000x128xbf16, #tpu.memory_space<vmem_shared>> -> memref<10000x128xbf16, #tpu.memory_space<vmem_shared>>
      tpu.enqueue_indirect_dma source(%arg8 : memref<80x128xbf16, #tpu.memory_space<vmem>>) target(%dma_start3A_101 : memref<10000x128xbf16, #tpu.memory_space<vmem_shared>>) offsets(%dma_start3A_98 : memref<80xi32, #tpu.memory_space<vmem>>) semaphore(%arg17 : memref<!tpu.dma_semaphore, #tpu.memory_space<semaphore_mem>>) {add = true}
      %dma_wait3A_102 = arith.constant 0 : i32
      %dma_wait3A_103 = arith.constant 0 : i32
      %dma_wait3A_104 = tpu.memref_slice %arg2[%dma_wait3A_102, %dma_wait3A_103] : memref<10000x128xbf16, #tpu.memory_space<hbm>> -> memref<80x128xbf16, #tpu.memory_space<hbm>>
      %dma_wait3A_105 = arith.constant 0 : i32
      %dma_wait3A_106 = arith.constant 0 : i32
      %dma_wait3A_107 = tpu.memref_slice %arg2[%dma_wait3A_105, %dma_wait3A_106] : memref<10000x128xbf16, #tpu.memory_space<hbm>> -> memref<80x128xbf16, #tpu.memory_space<hbm>>
      tpu.wait_dma2 semaphore(%arg14 : memref<!tpu.dma_semaphore, #tpu.memory_space<semaphore_mem>>) src(%dma_wait3A_107 : memref<80x128xbf16, #tpu.memory_space<hbm>>) dst(%arg9 : memref<80x128xbf16, #tpu.memory_space<vmem>>)
      %add3A_108 = arith.constant 1 : i32
      %add3A_109 = arith.addi %mul3A_87, %add3A_108 : i32
      %mul3A_110 = arith.constant 80 : i32
      %mul3A_111 = arith.muli %add3A_109, %mul3A_110 : i32
      %dma_start3A_112 = tpu.memref_slice %arg7[%mul3A_111] : memref<10000xi32, #tpu.memory_space<vmem>> -> memref<80xi32, #tpu.memory_space<vmem>>
      %dma_start3A_113 = arith.constant 0 : i32
      %dma_start3A_114 = arith.constant 0 : i32
      %dma_start3A_115 = tpu.memref_slice %arg12[%dma_start3A_113, %dma_start3A_114] : memref<10000x128xbf16, #tpu.memory_space<vmem_shared>> -> memref<10000x128xbf16, #tpu.memory_space<vmem_shared>>
      tpu.enqueue_indirect_dma source(%arg9 : memref<80x128xbf16, #tpu.memory_space<vmem>>) target(%dma_start3A_115 : memref<10000x128xbf16, #tpu.memory_space<vmem_shared>>) offsets(%dma_start3A_112 : memref<80xi32, #tpu.memory_space<vmem>>) semaphore(%arg18 : memref<!tpu.dma_semaphore, #tpu.memory_space<semaphore_mem>>) {add = true}
      %dma_wait3A_116 = arith.constant 0 : i32
      %dma_wait3A_117 = arith.constant 0 : i32
      %dma_wait3A_118 = tpu.memref_slice %arg2[%dma_wait3A_116, %dma_wait3A_117] : memref<10000x128xbf16, #tpu.memory_space<hbm>> -> memref<80x128xbf16, #tpu.memory_space<hbm>>
      %dma_wait3A_119 = arith.constant 0 : i32
      %dma_wait3A_120 = arith.constant 0 : i32
      %dma_wait3A_121 = tpu.memref_slice %arg2[%dma_wait3A_119, %dma_wait3A_120] : memref<10000x128xbf16, #tpu.memory_space<hbm>> -> memref<80x128xbf16, #tpu.memory_space<hbm>>
      tpu.wait_dma2 semaphore(%arg15 : memref<!tpu.dma_semaphore, #tpu.memory_space<semaphore_mem>>) src(%dma_wait3A_121 : memref<80x128xbf16, #tpu.memory_space<hbm>>) dst(%arg10 : memref<80x128xbf16, #tpu.memory_space<vmem>>)
      %add3A_122 = arith.constant 2 : i32
      %add3A_123 = arith.addi %mul3A_87, %add3A_122 : i32
      %mul3A_124 = arith.constant 80 : i32
      %mul3A_125 = arith.muli %add3A_123, %mul3A_124 : i32
      %dma_start3A_126 = tpu.memref_slice %arg7[%mul3A_125] : memref<10000xi32, #tpu.memory_space<vmem>> -> memref<80xi32, #tpu.memory_space<vmem>>
      %dma_start3A_127 = arith.constant 0 : i32
      %dma_start3A_128 = arith.constant 0 : i32
      %dma_start3A_129 = tpu.memref_slice %arg12[%dma_start3A_127, %dma_start3A_128] : memref<10000x128xbf16, #tpu.memory_space<vmem_shared>> -> memref<10000x128xbf16, #tpu.memory_space<vmem_shared>>
      tpu.enqueue_indirect_dma source(%arg10 : memref<80x128xbf16, #tpu.memory_space<vmem>>) target(%dma_start3A_129 : memref<10000x128xbf16, #tpu.memory_space<vmem_shared>>) offsets(%dma_start3A_126 : memref<80xi32, #tpu.memory_space<vmem>>) semaphore(%arg19 : memref<!tpu.dma_semaphore, #tpu.memory_space<semaphore_mem>>) {add = true}
      %dma_wait3A_130 = arith.constant 0 : i32
      %dma_wait3A_131 = arith.constant 0 : i32
      %dma_wait3A_132 = tpu.memref_slice %arg2[%dma_wait3A_130, %dma_wait3A_131] : memref<10000x128xbf16, #tpu.memory_space<hbm>> -> memref<80x128xbf16, #tpu.memory_space<hbm>>
      %dma_wait3A_133 = arith.constant 0 : i32
      %dma_wait3A_134 = arith.constant 0 : i32
      %dma_wait3A_135 = tpu.memref_slice %arg2[%dma_wait3A_133, %dma_wait3A_134] : memref<10000x128xbf16, #tpu.memory_space<hbm>> -> memref<80x128xbf16, #tpu.memory_space<hbm>>
      tpu.wait_dma2 semaphore(%arg16 : memref<!tpu.dma_semaphore, #tpu.memory_space<semaphore_mem>>) src(%dma_wait3A_135 : memref<80x128xbf16, #tpu.memory_space<hbm>>) dst(%arg11 : memref<80x128xbf16, #tpu.memory_space<vmem>>)
      %add3A_136 = arith.constant 3 : i32
      %add3A_137 = arith.addi %mul3A_87, %add3A_136 : i32
      %mul3A_138 = arith.constant 80 : i32
      %mul3A_139 = arith.muli %add3A_137, %mul3A_138 : i32
      %dma_start3A_140 = tpu.memref_slice %arg7[%mul3A_139] : memref<10000xi32, #tpu.memory_space<vmem>> -> memref<80xi32, #tpu.memory_space<vmem>>
      %dma_start3A_141 = arith.constant 0 : i32
      %dma_start3A_142 = arith.constant 0 : i32
      %dma_start3A_143 = tpu.memref_slice %arg12[%dma_start3A_141, %dma_start3A_142] : memref<10000x128xbf16, #tpu.memory_space<vmem_shared>> -> memref<10000x128xbf16, #tpu.memory_space<vmem_shared>>
      tpu.enqueue_indirect_dma source(%arg11 : memref<80x128xbf16, #tpu.memory_space<vmem>>) target(%dma_start3A_143 : memref<10000x128xbf16, #tpu.memory_space<vmem_shared>>) offsets(%dma_start3A_140 : memref<80xi32, #tpu.memory_space<vmem>>) semaphore(%arg20 : memref<!tpu.dma_semaphore, #tpu.memory_space<semaphore_mem>>) {add = true}
      %lt3A = arith.constant 30 : i32
      %lt3A_144 = arith.cmpi slt, %add3A_85, %lt3A : i32
      %convert_element_type3A_145 = arith.extui %lt3A_144 : i1 to i32
      %cond3A_146 = arith.constant 0 : i32
      %cond3A_147 = arith.cmpi ne, %convert_element_type3A_145, %cond3A_146 : i32
      scf.if %cond3A_147 {
        %dma_wait3A_163 = arith.constant 0 : i32
        %dma_wait3A_164 = tpu.memref_slice %arg7[%dma_wait3A_163] : memref<10000xi32, #tpu.memory_space<vmem>> -> memref<80xi32, #tpu.memory_space<vmem>>
        %dma_wait3A_165 = arith.constant 0 : i32
        %dma_wait3A_166 = arith.constant 0 : i32
        %dma_wait3A_167 = tpu.memref_slice %arg12[%dma_wait3A_165, %dma_wait3A_166] : memref<10000x128xbf16, #tpu.memory_space<vmem_shared>> -> memref<10000x128xbf16, #tpu.memory_space<vmem_shared>>
        tpu.wait_indirect_dma semaphore(%arg17 : memref<!tpu.dma_semaphore, #tpu.memory_space<semaphore_mem>>) src(%arg8 : memref<80x128xbf16, #tpu.memory_space<vmem>>) dst(%dma_wait3A_167 : memref<10000x128xbf16, #tpu.memory_space<vmem_shared>>)
        %add3A_168 = arith.constant 4 : i32
        %add3A_169 = arith.addi %mul3A_87, %add3A_168 : i32
        %add3A_170 = arith.constant 0 : i32
        %add3A_171 = arith.addi %add3A_169, %add3A_170 : i32
        %mul3A_172 = arith.constant 80 : i32
        %mul3A_173 = arith.muli %add3A_171, %mul3A_172 : i32
        %dma_start3A_174 = tpu.memref_slice %arg6[%mul3A_173] : memref<10000xi32, #tpu.memory_space<vmem>> -> memref<80xi32, #tpu.memory_space<vmem>>
        %dma_start3A_175 = arith.constant 0 : i32
        %dma_start3A_176 = arith.constant 0 : i32
        %dma_start3A_177 = tpu.memref_slice %arg2[%dma_start3A_175, %dma_start3A_176] : memref<10000x128xbf16, #tpu.memory_space<hbm>> -> memref<10000x128xbf16, #tpu.memory_space<hbm>>
        tpu.enqueue_indirect_dma source(%dma_start3A_177 : memref<10000x128xbf16, #tpu.memory_space<hbm>>) target(%arg8 : memref<80x128xbf16, #tpu.memory_space<vmem>>) offsets(%dma_start3A_174 : memref<80xi32, #tpu.memory_space<vmem>>) semaphore(%arg13 : memref<!tpu.dma_semaphore, #tpu.memory_space<semaphore_mem>>)
      } else {
      }
      %lt3A_148 = arith.constant 30 : i32
      %lt3A_149 = arith.cmpi slt, %add3A_85, %lt3A_148 : i32
      %convert_element_type3A_150 = arith.extui %lt3A_149 : i1 to i32
      %cond3A_151 = arith.constant 0 : i32
      %cond3A_152 = arith.cmpi ne, %convert_element_type3A_150, %cond3A_151 : i32
      scf.if %cond3A_152 {
        %dma_wait3A_163 = arith.constant 0 : i32
        %dma_wait3A_164 = tpu.memref_slice %arg7[%dma_wait3A_163] : memref<10000xi32, #tpu.memory_space<vmem>> -> memref<80xi32, #tpu.memory_space<vmem>>
        %dma_wait3A_165 = arith.constant 0 : i32
        %dma_wait3A_166 = arith.constant 0 : i32
        %dma_wait3A_167 = tpu.memref_slice %arg12[%dma_wait3A_165, %dma_wait3A_166] : memref<10000x128xbf16, #tpu.memory_space<vmem_shared>> -> memref<10000x128xbf16, #tpu.memory_space<vmem_shared>>
        tpu.wait_indirect_dma semaphore(%arg18 : memref<!tpu.dma_semaphore, #tpu.memory_space<semaphore_mem>>) src(%arg9 : memref<80x128xbf16, #tpu.memory_space<vmem>>) dst(%dma_wait3A_167 : memref<10000x128xbf16, #tpu.memory_space<vmem_shared>>)
        %add3A_168 = arith.constant 4 : i32
        %add3A_169 = arith.addi %mul3A_87, %add3A_168 : i32
        %add3A_170 = arith.constant 1 : i32
        %add3A_171 = arith.addi %add3A_169, %add3A_170 : i32
        %mul3A_172 = arith.constant 80 : i32
        %mul3A_173 = arith.muli %add3A_171, %mul3A_172 : i32
        %dma_start3A_174 = tpu.memref_slice %arg6[%mul3A_173] : memref<10000xi32, #tpu.memory_space<vmem>> -> memref<80xi32, #tpu.memory_space<vmem>>
        %dma_start3A_175 = arith.constant 0 : i32
        %dma_start3A_176 = arith.constant 0 : i32
        %dma_start3A_177 = tpu.memref_slice %arg2[%dma_start3A_175, %dma_start3A_176] : memref<10000x128xbf16, #tpu.memory_space<hbm>> -> memref<10000x128xbf16, #tpu.memory_space<hbm>>
        tpu.enqueue_indirect_dma source(%dma_start3A_177 : memref<10000x128xbf16, #tpu.memory_space<hbm>>) target(%arg9 : memref<80x128xbf16, #tpu.memory_space<vmem>>) offsets(%dma_start3A_174 : memref<80xi32, #tpu.memory_space<vmem>>) semaphore(%arg14 : memref<!tpu.dma_semaphore, #tpu.memory_space<semaphore_mem>>)
      } else {
      }
      %lt3A_153 = arith.constant 30 : i32
      %lt3A_154 = arith.cmpi slt, %add3A_85, %lt3A_153 : i32
      %convert_element_type3A_155 = arith.extui %lt3A_154 : i1 to i32
      %cond3A_156 = arith.constant 0 : i32
      %cond3A_157 = arith.cmpi ne, %convert_element_type3A_155, %cond3A_156 : i32
      scf.if %cond3A_157 {
        %dma_wait3A_163 = arith.constant 0 : i32
        %dma_wait3A_164 = tpu.memref_slice %arg7[%dma_wait3A_163] : memref<10000xi32, #tpu.memory_space<vmem>> -> memref<80xi32, #tpu.memory_space<vmem>>
        %dma_wait3A_165 = arith.constant 0 : i32
        %dma_wait3A_166 = arith.constant 0 : i32
        %dma_wait3A_167 = tpu.memref_slice %arg12[%dma_wait3A_165, %dma_wait3A_166] : memref<10000x128xbf16, #tpu.memory_space<vmem_shared>> -> memref<10000x128xbf16, #tpu.memory_space<vmem_shared>>
        tpu.wait_indirect_dma semaphore(%arg19 : memref<!tpu.dma_semaphore, #tpu.memory_space<semaphore_mem>>) src(%arg10 : memref<80x128xbf16, #tpu.memory_space<vmem>>) dst(%dma_wait3A_167 : memref<10000x128xbf16, #tpu.memory_space<vmem_shared>>)
        %add3A_168 = arith.constant 4 : i32
        %add3A_169 = arith.addi %mul3A_87, %add3A_168 : i32
        %add3A_170 = arith.constant 2 : i32
        %add3A_171 = arith.addi %add3A_169, %add3A_170 : i32
        %mul3A_172 = arith.constant 80 : i32
        %mul3A_173 = arith.muli %add3A_171, %mul3A_172 : i32
        %dma_start3A_174 = tpu.memref_slice %arg6[%mul3A_173] : memref<10000xi32, #tpu.memory_space<vmem>> -> memref<80xi32, #tpu.memory_space<vmem>>
        %dma_start3A_175 = arith.constant 0 : i32
        %dma_start3A_176 = arith.constant 0 : i32
        %dma_start3A_177 = tpu.memref_slice %arg2[%dma_start3A_175, %dma_start3A_176] : memref<10000x128xbf16, #tpu.memory_space<hbm>> -> memref<10000x128xbf16, #tpu.memory_space<hbm>>
        tpu.enqueue_indirect_dma source(%dma_start3A_177 : memref<10000x128xbf16, #tpu.memory_space<hbm>>) target(%arg10 : memref<80x128xbf16, #tpu.memory_space<vmem>>) offsets(%dma_start3A_174 : memref<80xi32, #tpu.memory_space<vmem>>) semaphore(%arg15 : memref<!tpu.dma_semaphore, #tpu.memory_space<semaphore_mem>>)
      } else {
      }
      %lt3A_158 = arith.constant 30 : i32
      %lt3A_159 = arith.cmpi slt, %add3A_85, %lt3A_158 : i32
      %convert_element_type3A_160 = arith.extui %lt3A_159 : i1 to i32
      %cond3A_161 = arith.constant 0 : i32
      %cond3A_162 = arith.cmpi ne, %convert_element_type3A_160, %cond3A_161 : i32
      scf.if %cond3A_162 {
        %dma_wait3A_163 = arith.constant 0 : i32
        %dma_wait3A_164 = tpu.memref_slice %arg7[%dma_wait3A_163] : memref<10000xi32, #tpu.memory_space<vmem>> -> memref<80xi32, #tpu.memory_space<vmem>>
        %dma_wait3A_165 = arith.constant 0 : i32
        %dma_wait3A_166 = arith.constant 0 : i32
        %dma_wait3A_167 = tpu.memref_slice %arg12[%dma_wait3A_165, %dma_wait3A_166] : memref<10000x128xbf16, #tpu.memory_space<vmem_shared>> -> memref<10000x128xbf16, #tpu.memory_space<vmem_shared>>
        tpu.wait_indirect_dma semaphore(%arg20 : memref<!tpu.dma_semaphore, #tpu.memory_space<semaphore_mem>>) src(%arg11 : memref<80x128xbf16, #tpu.memory_space<vmem>>) dst(%dma_wait3A_167 : memref<10000x128xbf16, #tpu.memory_space<vmem_shared>>)
        %add3A_168 = arith.constant 4 : i32
        %add3A_169 = arith.addi %mul3A_87, %add3A_168 : i32
        %add3A_170 = arith.constant 3 : i32
        %add3A_171 = arith.addi %add3A_169, %add3A_170 : i32
        %mul3A_172 = arith.constant 80 : i32
        %mul3A_173 = arith.muli %add3A_171, %mul3A_172 : i32
        %dma_start3A_174 = tpu.memref_slice %arg6[%mul3A_173] : memref<10000xi32, #tpu.memory_space<vmem>> -> memref<80xi32, #tpu.memory_space<vmem>>
        %dma_start3A_175 = arith.constant 0 : i32
        %dma_start3A_176 = arith.constant 0 : i32
        %dma_start3A_177 = tpu.memref_slice %arg2[%dma_start3A_175, %dma_start3A_176] : memref<10000x128xbf16, #tpu.memory_space<hbm>> -> memref<10000x128xbf16, #tpu.memory_space<hbm>>
        tpu.enqueue_indirect_dma source(%dma_start3A_177 : memref<10000x128xbf16, #tpu.memory_space<hbm>>) target(%arg11 : memref<80x128xbf16, #tpu.memory_space<vmem>>) offsets(%dma_start3A_174 : memref<80xi32, #tpu.memory_space<vmem>>) semaphore(%arg16 : memref<!tpu.dma_semaphore, #tpu.memory_space<semaphore_mem>>)
      } else {
      }
    }
    %scan3A_32 = arith.constant 31 : i32
    %dma_wait3A = arith.constant 0 : i32
    %dma_wait3A_33 = tpu.memref_slice %arg7[%dma_wait3A] : memref<10000xi32, #tpu.memory_space<vmem>> -> memref<80xi32, #tpu.memory_space<vmem>>
    %dma_wait3A_34 = arith.constant 0 : i32
    %dma_wait3A_35 = arith.constant 0 : i32
    %dma_wait3A_36 = tpu.memref_slice %arg12[%dma_wait3A_34, %dma_wait3A_35] : memref<10000x128xbf16, #tpu.memory_space<vmem_shared>> -> memref<10000x128xbf16, #tpu.memory_space<vmem_shared>>
    tpu.wait_indirect_dma semaphore(%arg17 : memref<!tpu.dma_semaphore, #tpu.memory_space<semaphore_mem>>) src(%arg8 : memref<80x128xbf16, #tpu.memory_space<vmem>>) dst(%dma_wait3A_36 : memref<10000x128xbf16, #tpu.memory_space<vmem_shared>>)
    %dma_start3A_37 = arith.constant 9920 : i32
    %dma_start3A_38 = tpu.memref_slice %arg6[%dma_start3A_37] : memref<10000xi32, #tpu.memory_space<vmem>> -> memref<80xi32, #tpu.memory_space<vmem>>
    %dma_start3A_39 = arith.constant 0 : i32
    %dma_start3A_40 = arith.constant 0 : i32
    %dma_start3A_41 = tpu.memref_slice %arg2[%dma_start3A_39, %dma_start3A_40] : memref<10000x128xbf16, #tpu.memory_space<hbm>> -> memref<10000x128xbf16, #tpu.memory_space<hbm>>
    tpu.enqueue_indirect_dma source(%dma_start3A_41 : memref<10000x128xbf16, #tpu.memory_space<hbm>>) target(%arg8 : memref<80x128xbf16, #tpu.memory_space<vmem>>) offsets(%dma_start3A_38 : memref<80xi32, #tpu.memory_space<vmem>>) semaphore(%arg13 : memref<!tpu.dma_semaphore, #tpu.memory_space<semaphore_mem>>)
    %dma_wait3A_42 = arith.constant 0 : i32
    %dma_wait3A_43 = arith.constant 0 : i32
    %dma_wait3A_44 = tpu.memref_slice %arg2[%dma_wait3A_42, %dma_wait3A_43] : memref<10000x128xbf16, #tpu.memory_space<hbm>> -> memref<80x128xbf16, #tpu.memory_space<hbm>>
    %dma_wait3A_45 = arith.constant 0 : i32
    %dma_wait3A_46 = arith.constant 0 : i32
    %dma_wait3A_47 = tpu.memref_slice %arg2[%dma_wait3A_45, %dma_wait3A_46] : memref<10000x128xbf16, #tpu.memory_space<hbm>> -> memref<80x128xbf16, #tpu.memory_space<hbm>>
    tpu.wait_dma2 semaphore(%arg13 : memref<!tpu.dma_semaphore, #tpu.memory_space<semaphore_mem>>) src(%dma_wait3A_47 : memref<80x128xbf16, #tpu.memory_space<hbm>>) dst(%arg8 : memref<80x128xbf16, #tpu.memory_space<vmem>>)
    %dma_start3A_48 = arith.constant 9920 : i32
    %dma_start3A_49 = tpu.memref_slice %arg7[%dma_start3A_48] : memref<10000xi32, #tpu.memory_space<vmem>> -> memref<80xi32, #tpu.memory_space<vmem>>
    %dma_start3A_50 = arith.constant 0 : i32
    %dma_start3A_51 = arith.constant 0 : i32
    %dma_start3A_52 = tpu.memref_slice %arg12[%dma_start3A_50, %dma_start3A_51] : memref<10000x128xbf16, #tpu.memory_space<vmem_shared>> -> memref<10000x128xbf16, #tpu.memory_space<vmem_shared>>
    tpu.enqueue_indirect_dma source(%arg8 : memref<80x128xbf16, #tpu.memory_space<vmem>>) target(%dma_start3A_52 : memref<10000x128xbf16, #tpu.memory_space<vmem_shared>>) offsets(%dma_start3A_49 : memref<80xi32, #tpu.memory_space<vmem>>) semaphore(%arg17 : memref<!tpu.dma_semaphore, #tpu.memory_space<semaphore_mem>>) {add = true}
    %dma_wait3A_53 = arith.constant 0 : i32
    %dma_wait3A_54 = tpu.memref_slice %arg7[%dma_wait3A_53] : memref<10000xi32, #tpu.memory_space<vmem>> -> memref<80xi32, #tpu.memory_space<vmem>>
    %dma_wait3A_55 = arith.constant 0 : i32
    %dma_wait3A_56 = arith.constant 0 : i32
    %dma_wait3A_57 = tpu.memref_slice %arg12[%dma_wait3A_55, %dma_wait3A_56] : memref<10000x128xbf16, #tpu.memory_space<vmem_shared>> -> memref<10000x128xbf16, #tpu.memory_space<vmem_shared>>
    tpu.wait_indirect_dma semaphore(%arg17 : memref<!tpu.dma_semaphore, #tpu.memory_space<semaphore_mem>>) src(%arg8 : memref<80x128xbf16, #tpu.memory_space<vmem>>) dst(%dma_wait3A_57 : memref<10000x128xbf16, #tpu.memory_space<vmem_shared>>)
    %dma_wait3A_58 = arith.constant 0 : i32
    %dma_wait3A_59 = tpu.memref_slice %arg7[%dma_wait3A_58] : memref<10000xi32, #tpu.memory_space<vmem>> -> memref<80xi32, #tpu.memory_space<vmem>>
    %dma_wait3A_60 = arith.constant 0 : i32
    %dma_wait3A_61 = arith.constant 0 : i32
    %dma_wait3A_62 = tpu.memref_slice %arg12[%dma_wait3A_60, %dma_wait3A_61] : memref<10000x128xbf16, #tpu.memory_space<vmem_shared>> -> memref<10000x128xbf16, #tpu.memory_space<vmem_shared>>
    tpu.wait_indirect_dma semaphore(%arg18 : memref<!tpu.dma_semaphore, #tpu.memory_space<semaphore_mem>>) src(%arg9 : memref<80x128xbf16, #tpu.memory_space<vmem>>) dst(%dma_wait3A_62 : memref<10000x128xbf16, #tpu.memory_space<vmem_shared>>)
    %dma_wait3A_63 = arith.constant 0 : i32
    %dma_wait3A_64 = tpu.memref_slice %arg7[%dma_wait3A_63] : memref<10000xi32, #tpu.memory_space<vmem>> -> memref<80xi32, #tpu.memory_space<vmem>>
    %dma_wait3A_65 = arith.constant 0 : i32
    %dma_wait3A_66 = arith.constant 0 : i32
    %dma_wait3A_67 = tpu.memref_slice %arg12[%dma_wait3A_65, %dma_wait3A_66] : memref<10000x128xbf16, #tpu.memory_space<vmem_shared>> -> memref<10000x128xbf16, #tpu.memory_space<vmem_shared>>
    tpu.wait_indirect_dma semaphore(%arg19 : memref<!tpu.dma_semaphore, #tpu.memory_space<semaphore_mem>>) src(%arg10 : memref<80x128xbf16, #tpu.memory_space<vmem>>) dst(%dma_wait3A_67 : memref<10000x128xbf16, #tpu.memory_space<vmem_shared>>)
    %dma_wait3A_68 = arith.constant 0 : i32
    %dma_wait3A_69 = tpu.memref_slice %arg7[%dma_wait3A_68] : memref<10000xi32, #tpu.memory_space<vmem>> -> memref<80xi32, #tpu.memory_space<vmem>>
    %dma_wait3A_70 = arith.constant 0 : i32
    %dma_wait3A_71 = arith.constant 0 : i32
    %dma_wait3A_72 = tpu.memref_slice %arg12[%dma_wait3A_70, %dma_wait3A_71] : memref<10000x128xbf16, #tpu.memory_space<vmem_shared>> -> memref<10000x128xbf16, #tpu.memory_space<vmem_shared>>
    tpu.wait_indirect_dma semaphore(%arg20 : memref<!tpu.dma_semaphore, #tpu.memory_space<semaphore_mem>>) src(%arg11 : memref<80x128xbf16, #tpu.memory_space<vmem>>) dst(%dma_wait3A_72 : memref<10000x128xbf16, #tpu.memory_space<vmem_shared>>)
    %barrier3A_73 = arith.constant 0 : index
    tpu.barrier barrier_id(%barrier3A_73)
    %mul3A_74 = arith.constant 624 : i32
    %mul3A_75 = arith.muli %arg1, %mul3A_74 : i32
    "tpu.region"() ({
      %run_scoped3A_81 = tpu.sem_alloc : memref<!tpu.dma_semaphore, #tpu.memory_space<semaphore_mem>>
      %dma_start3A_82 = arith.constant 0 : i32
      %dma_start3A_83 = tpu.memref_slice %arg5[%arg0, %mul3A_75, %dma_start3A_82] : memref<2x10000x128xbf16, #tpu.memory_space<hbm>> -> memref<1x624x128xbf16, #tpu.memory_space<hbm>>
      %dma_start3A_84 = tpu.memref_squeeze %dma_start3A_83 : memref<1x624x128xbf16, #tpu.memory_space<hbm>> -> memref<624x128xbf16, #tpu.memory_space<hbm>>
      %dma_start3A_85 = arith.constant 0 : i32
      %dma_start3A_86 = tpu.memref_slice %arg12[%mul3A_75, %dma_start3A_85] : memref<10000x128xbf16, #tpu.memory_space<vmem_shared>> -> memref<624x128xbf16, #tpu.memory_space<vmem_shared>>
      tpu.enqueue_dma source(%dma_start3A_86 : memref<624x128xbf16, #tpu.memory_space<vmem_shared>>) target(%dma_start3A_84 : memref<624x128xbf16, #tpu.memory_space<hbm>>) target_semaphore(%run_scoped3A_81 : memref<!tpu.dma_semaphore, #tpu.memory_space<semaphore_mem>>)
      %dma_wait3A_87 = arith.constant 0 : i32
      %dma_wait3A_88 = tpu.memref_slice %arg5[%arg0, %mul3A_75, %dma_wait3A_87] : memref<2x10000x128xbf16, #tpu.memory_space<hbm>> -> memref<1x624x128xbf16, #tpu.memory_space<hbm>>
      %dma_wait3A_89 = tpu.memref_squeeze %dma_wait3A_88 : memref<1x624x128xbf16, #tpu.memory_space<hbm>> -> memref<624x128xbf16, #tpu.memory_space<hbm>>
      %dma_wait3A_90 = arith.constant 0 : i32
      %dma_wait3A_91 = tpu.memref_slice %arg12[%mul3A_75, %dma_wait3A_90] : memref<10000x128xbf16, #tpu.memory_space<vmem_shared>> -> memref<624x128xbf16, #tpu.memory_space<vmem_shared>>
      tpu.wait_dma2 semaphore(%run_scoped3A_81 : memref<!tpu.dma_semaphore, #tpu.memory_space<semaphore_mem>>) src(%dma_wait3A_91 : memref<624x128xbf16, #tpu.memory_space<vmem_shared>>) dst(%dma_wait3A_89 : memref<624x128xbf16, #tpu.memory_space<hbm>>)
      tpu.yield
    }) : () -> ()
    %eq3A_76 = arith.constant 0 : i32
    %eq3A_77 = arith.cmpi eq, %arg1, %eq3A_76 : i32
    %convert_element_type3A_78 = arith.extui %eq3A_77 : i1 to i32
    %cond3A_79 = arith.constant 0 : i32
    %cond3A_80 = arith.cmpi ne, %convert_element_type3A_78, %cond3A_79 : i32
    scf.if %cond3A_80 {
      "tpu.region"() ({
        %run_scoped3A_81 = tpu.sem_alloc : memref<!tpu.dma_semaphore, #tpu.memory_space<semaphore_mem>>
        %dma_start3A_82 = arith.constant 9984 : i32
        %dma_start3A_83 = arith.constant 0 : i32
        %dma_start3A_84 = tpu.memref_slice %arg5[%arg0, %dma_start3A_82, %dma_start3A_83] : memref<2x10000x128xbf16, #tpu.memory_space<hbm>> -> memref<1x16x128xbf16, #tpu.memory_space<hbm>>
        %dma_start3A_85 = tpu.memref_squeeze %dma_start3A_84 : memref<1x16x128xbf16, #tpu.memory_space<hbm>> -> memref<16x128xbf16, #tpu.memory_space<hbm>>
        %dma_start3A_86 = arith.constant 9984 : i32
        %dma_start3A_87 = arith.constant 0 : i32
        %dma_start3A_88 = tpu.memref_slice %arg12[%dma_start3A_86, %dma_start3A_87] : memref<10000x128xbf16, #tpu.memory_space<vmem_shared>> -> memref<16x128xbf16, #tpu.memory_space<vmem_shared>>
        tpu.enqueue_dma source(%dma_start3A_88 : memref<16x128xbf16, #tpu.memory_space<vmem_shared>>) target(%dma_start3A_85 : memref<16x128xbf16, #tpu.memory_space<hbm>>) target_semaphore(%run_scoped3A_81 : memref<!tpu.dma_semaphore, #tpu.memory_space<semaphore_mem>>)
        %dma_wait3A_89 = arith.constant 9984 : i32
        %dma_wait3A_90 = arith.constant 0 : i32
        %dma_wait3A_91 = tpu.memref_slice %arg5[%arg0, %dma_wait3A_89, %dma_wait3A_90] : memref<2x10000x128xbf16, #tpu.memory_space<hbm>> -> memref<1x16x128xbf16, #tpu.memory_space<hbm>>
        %dma_wait3A_92 = tpu.memref_squeeze %dma_wait3A_91 : memref<1x16x128xbf16, #tpu.memory_space<hbm>> -> memref<16x128xbf16, #tpu.memory_space<hbm>>
        %dma_wait3A_93 = arith.constant 9984 : i32
        %dma_wait3A_94 = arith.constant 0 : i32
        %dma_wait3A_95 = tpu.memref_slice %arg12[%dma_wait3A_93, %dma_wait3A_94] : memref<10000x128xbf16, #tpu.memory_space<vmem_shared>> -> memref<16x128xbf16, #tpu.memory_space<vmem_shared>>
        tpu.wait_dma2 semaphore(%run_scoped3A_81 : memref<!tpu.dma_semaphore, #tpu.memory_space<semaphore_mem>>) src(%dma_wait3A_95 : memref<16x128xbf16, #tpu.memory_space<vmem_shared>>) dst(%dma_wait3A_92 : memref<16x128xbf16, #tpu.memory_space<hbm>>)
        tpu.yield
      }) : () -> ()
    } else {
    }
    return
  }
}

#map = affine_map<(d0, d1) -> (0, 0)>
#map1 = affine_map<(d0, d1) -> (0, 0, 0)>
module attributes {stable_mosaic.version = 14 : i64} {
  func.func @_deg_kernel(%arg0: i32, %arg1: i32, %arg2: memref<2x320000xi32, #tpu.memory_space<hbm>>, %arg3: memref<80x16xf32, #tpu.memory_space<hbm>>, %arg4: memref<10000x16xf32, #tpu.memory_space<hbm>>, %arg5: memref<2x10000x16xf32, #tpu.memory_space<hbm>>, %arg6: memref<10000xi32, #tpu.memory_space<vmem>>, %arg7: memref<80x16xf32, #tpu.memory_space<vmem>>, %arg8: memref<10000x16xf32, #tpu.memory_space<vmem_shared>>, %arg9: memref<!tpu.dma_semaphore, #tpu.memory_space<semaphore_mem>>) attributes {dimension_semantics = [#tpu.dimension_semantics<core_parallel>, #tpu.dimension_semantics<subcore_parallel>], iteration_bounds = array<i64: 2, 16>, scalar_prefetch = 0 : i64, scratch_operands = 4 : i64, tpu.core_type = #tpu.core_type<sc_vector_subcore>, window_params = [{transform_indices = #map}, {transform_indices = #map}, {transform_indices = #map}, {transform_indices = #map1}]} {
    %mul3A = arith.constant 2 : i32
    %mul3A_0 = arith.muli %arg1, %mul3A : i32
    %add3A = arith.addi %mul3A_0, %arg0 : i32
    "tpu.region"() ({
      %run_scoped3A_24 = tpu.sem_alloc : memref<!tpu.dma_semaphore, #tpu.memory_space<semaphore_mem>>
      tpu.enqueue_dma source(%arg3 : memref<80x16xf32, #tpu.memory_space<hbm>>) target(%arg7 : memref<80x16xf32, #tpu.memory_space<vmem>>) target_semaphore(%run_scoped3A_24 : memref<!tpu.dma_semaphore, #tpu.memory_space<semaphore_mem>>)
      tpu.wait_dma2 semaphore(%run_scoped3A_24 : memref<!tpu.dma_semaphore, #tpu.memory_space<semaphore_mem>>) src(%arg3 : memref<80x16xf32, #tpu.memory_space<hbm>>) dst(%arg7 : memref<80x16xf32, #tpu.memory_space<vmem>>)
      tpu.yield
    }) : () -> ()
    %mul3A_1 = arith.constant 10000 : i32
    %mul3A_2 = arith.muli %mul3A_1, %add3A : i32
    %run_scoped3A = arith.constant 1 : i32
    "tpu.region"() ({
      %run_scoped3A_24 = tpu.sem_alloc : memref<!tpu.dma_semaphore, #tpu.memory_space<semaphore_mem>>
      %dma_start3A = tpu.memref_slice %arg2[%run_scoped3A, %mul3A_2] : memref<2x320000xi32, #tpu.memory_space<hbm>> -> memref<1x10000xi32, #tpu.memory_space<hbm>>
      %dma_start3A_25 = tpu.memref_squeeze %dma_start3A : memref<1x10000xi32, #tpu.memory_space<hbm>> -> memref<10000xi32, #tpu.memory_space<hbm>>
      %dma_start3A_26 = tpu.memref_slice %arg2[%run_scoped3A, %mul3A_2] : memref<2x320000xi32, #tpu.memory_space<hbm>> -> memref<1x10000xi32, #tpu.memory_space<hbm>>
      %dma_start3A_27 = tpu.memref_squeeze %dma_start3A_26 : memref<1x10000xi32, #tpu.memory_space<hbm>> -> memref<10000xi32, #tpu.memory_space<hbm>>
      tpu.enqueue_dma source(%dma_start3A_27 : memref<10000xi32, #tpu.memory_space<hbm>>) target(%arg6 : memref<10000xi32, #tpu.memory_space<vmem>>) target_semaphore(%run_scoped3A_24 : memref<!tpu.dma_semaphore, #tpu.memory_space<semaphore_mem>>)
      %dma_wait3A = tpu.memref_slice %arg2[%run_scoped3A, %mul3A_2] : memref<2x320000xi32, #tpu.memory_space<hbm>> -> memref<1x10000xi32, #tpu.memory_space<hbm>>
      %dma_wait3A_28 = tpu.memref_squeeze %dma_wait3A : memref<1x10000xi32, #tpu.memory_space<hbm>> -> memref<10000xi32, #tpu.memory_space<hbm>>
      %dma_wait3A_29 = tpu.memref_slice %arg2[%run_scoped3A, %mul3A_2] : memref<2x320000xi32, #tpu.memory_space<hbm>> -> memref<1x10000xi32, #tpu.memory_space<hbm>>
      %dma_wait3A_30 = tpu.memref_squeeze %dma_wait3A_29 : memref<1x10000xi32, #tpu.memory_space<hbm>> -> memref<10000xi32, #tpu.memory_space<hbm>>
      tpu.wait_dma2 semaphore(%run_scoped3A_24 : memref<!tpu.dma_semaphore, #tpu.memory_space<semaphore_mem>>) src(%dma_wait3A_30 : memref<10000xi32, #tpu.memory_space<hbm>>) dst(%arg6 : memref<10000xi32, #tpu.memory_space<vmem>>)
      tpu.yield
    }) : () -> ()
    %mul3A_3 = arith.constant 624 : i32
    %mul3A_4 = arith.muli %arg1, %mul3A_3 : i32
    "tpu.region"() ({
      %run_scoped3A_24 = tpu.sem_alloc : memref<!tpu.dma_semaphore, #tpu.memory_space<semaphore_mem>>
      %dma_start3A = arith.constant 0 : i32
      %dma_start3A_25 = tpu.memref_slice %arg8[%mul3A_4, %dma_start3A] : memref<10000x16xf32, #tpu.memory_space<vmem_shared>> -> memref<624x16xf32, #tpu.memory_space<vmem_shared>>
      %dma_start3A_26 = arith.constant 0 : i32
      %dma_start3A_27 = tpu.memref_slice %arg4[%mul3A_4, %dma_start3A_26] : memref<10000x16xf32, #tpu.memory_space<hbm>> -> memref<624x16xf32, #tpu.memory_space<hbm>>
      tpu.enqueue_dma source(%dma_start3A_27 : memref<624x16xf32, #tpu.memory_space<hbm>>) target(%dma_start3A_25 : memref<624x16xf32, #tpu.memory_space<vmem_shared>>) target_semaphore(%run_scoped3A_24 : memref<!tpu.dma_semaphore, #tpu.memory_space<semaphore_mem>>)
      %dma_wait3A = arith.constant 0 : i32
      %dma_wait3A_28 = tpu.memref_slice %arg8[%mul3A_4, %dma_wait3A] : memref<10000x16xf32, #tpu.memory_space<vmem_shared>> -> memref<624x16xf32, #tpu.memory_space<vmem_shared>>
      %dma_wait3A_29 = arith.constant 0 : i32
      %dma_wait3A_30 = tpu.memref_slice %arg4[%mul3A_4, %dma_wait3A_29] : memref<10000x16xf32, #tpu.memory_space<hbm>> -> memref<624x16xf32, #tpu.memory_space<hbm>>
      tpu.wait_dma2 semaphore(%run_scoped3A_24 : memref<!tpu.dma_semaphore, #tpu.memory_space<semaphore_mem>>) src(%dma_wait3A_30 : memref<624x16xf32, #tpu.memory_space<hbm>>) dst(%dma_wait3A_28 : memref<624x16xf32, #tpu.memory_space<vmem_shared>>)
      tpu.yield
    }) : () -> ()
    %eq3A = arith.constant 0 : i32
    %eq3A_5 = arith.cmpi eq, %arg1, %eq3A : i32
    %convert_element_type3A = arith.extui %eq3A_5 : i1 to i32
    %cond3A = arith.constant 0 : i32
    %cond3A_6 = arith.cmpi ne, %convert_element_type3A, %cond3A : i32
    scf.if %cond3A_6 {
      "tpu.region"() ({
        %run_scoped3A_24 = tpu.sem_alloc : memref<!tpu.dma_semaphore, #tpu.memory_space<semaphore_mem>>
        %dma_start3A = arith.constant 9984 : i32
        %dma_start3A_25 = arith.constant 0 : i32
        %dma_start3A_26 = tpu.memref_slice %arg8[%dma_start3A, %dma_start3A_25] : memref<10000x16xf32, #tpu.memory_space<vmem_shared>> -> memref<16x16xf32, #tpu.memory_space<vmem_shared>>
        %dma_start3A_27 = arith.constant 9984 : i32
        %dma_start3A_28 = arith.constant 0 : i32
        %dma_start3A_29 = tpu.memref_slice %arg4[%dma_start3A_27, %dma_start3A_28] : memref<10000x16xf32, #tpu.memory_space<hbm>> -> memref<16x16xf32, #tpu.memory_space<hbm>>
        tpu.enqueue_dma source(%dma_start3A_29 : memref<16x16xf32, #tpu.memory_space<hbm>>) target(%dma_start3A_26 : memref<16x16xf32, #tpu.memory_space<vmem_shared>>) target_semaphore(%run_scoped3A_24 : memref<!tpu.dma_semaphore, #tpu.memory_space<semaphore_mem>>)
        %dma_wait3A = arith.constant 9984 : i32
        %dma_wait3A_30 = arith.constant 0 : i32
        %dma_wait3A_31 = tpu.memref_slice %arg8[%dma_wait3A, %dma_wait3A_30] : memref<10000x16xf32, #tpu.memory_space<vmem_shared>> -> memref<16x16xf32, #tpu.memory_space<vmem_shared>>
        %dma_wait3A_32 = arith.constant 9984 : i32
        %dma_wait3A_33 = arith.constant 0 : i32
        %dma_wait3A_34 = tpu.memref_slice %arg4[%dma_wait3A_32, %dma_wait3A_33] : memref<10000x16xf32, #tpu.memory_space<hbm>> -> memref<16x16xf32, #tpu.memory_space<hbm>>
        tpu.wait_dma2 semaphore(%run_scoped3A_24 : memref<!tpu.dma_semaphore, #tpu.memory_space<semaphore_mem>>) src(%dma_wait3A_34 : memref<16x16xf32, #tpu.memory_space<hbm>>) dst(%dma_wait3A_31 : memref<16x16xf32, #tpu.memory_space<vmem_shared>>)
        tpu.yield
      }) : () -> ()
    } else {
    }
    %barrier3A = arith.constant 0 : index
    tpu.barrier barrier_id(%barrier3A)
    %scan3A = arith.constant 0 : i32
    %scan3A_7 = arith.constant 125 : i32
    %scan3A_8 = arith.addi %scan3A, %scan3A_7 : i32
    %scan3A_9 = arith.constant 1 : i32
    scf.for %scan3A_24 = %scan3A to %scan3A_8 step %scan3A_9  : i32 {
      %mul3A_25 = arith.constant 1 : i32
      %mul3A_26 = arith.muli %scan3A_24, %mul3A_25 : i32
      %add3A_27 = arith.constant 0 : i32
      %add3A_28 = arith.addi %add3A_27, %mul3A_26 : i32
      %mul3A_29 = arith.constant 80 : i32
      %mul3A_30 = arith.muli %add3A_28, %mul3A_29 : i32
      %dma_start3A = tpu.memref_slice %arg6[%mul3A_30] : memref<10000xi32, #tpu.memory_space<vmem>> -> memref<80xi32, #tpu.memory_space<vmem>>
      %dma_start3A_31 = arith.constant 0 : i32
      %dma_start3A_32 = arith.constant 0 : i32
      %dma_start3A_33 = tpu.memref_slice %arg8[%dma_start3A_31, %dma_start3A_32] : memref<10000x16xf32, #tpu.memory_space<vmem_shared>> -> memref<10000x16xf32, #tpu.memory_space<vmem_shared>>
      tpu.enqueue_indirect_dma source(%arg7 : memref<80x16xf32, #tpu.memory_space<vmem>>) target(%dma_start3A_33 : memref<10000x16xf32, #tpu.memory_space<vmem_shared>>) offsets(%dma_start3A : memref<80xi32, #tpu.memory_space<vmem>>) semaphore(%arg9 : memref<!tpu.dma_semaphore, #tpu.memory_space<semaphore_mem>>) {add = true}
    }
    %scan3A_10 = arith.constant 125 : i32
    %scan3A_11 = arith.constant 0 : i32
    %scan3A_12 = arith.constant 125 : i32
    %scan3A_13 = arith.addi %scan3A_11, %scan3A_12 : i32
    %scan3A_14 = arith.constant 1 : i32
    scf.for %scan3A_24 = %scan3A_11 to %scan3A_13 step %scan3A_14  : i32 {
      %mul3A_25 = arith.constant 1 : i32
      %mul3A_26 = arith.muli %scan3A_24, %mul3A_25 : i32
      %add3A_27 = arith.constant 0 : i32
      %add3A_28 = arith.addi %add3A_27, %mul3A_26 : i32
      %dma_wait3A = arith.constant 0 : i32
      %dma_wait3A_29 = tpu.memref_slice %arg6[%dma_wait3A] : memref<10000xi32, #tpu.memory_space<vmem>> -> memref<80xi32, #tpu.memory_space<vmem>>
      %dma_wait3A_30 = arith.constant 0 : i32
      %dma_wait3A_31 = arith.constant 0 : i32
      %dma_wait3A_32 = tpu.memref_slice %arg8[%dma_wait3A_30, %dma_wait3A_31] : memref<10000x16xf32, #tpu.memory_space<vmem_shared>> -> memref<10000x16xf32, #tpu.memory_space<vmem_shared>>
      tpu.wait_indirect_dma semaphore(%arg9 : memref<!tpu.dma_semaphore, #tpu.memory_space<semaphore_mem>>) src(%arg7 : memref<80x16xf32, #tpu.memory_space<vmem>>) dst(%dma_wait3A_32 : memref<10000x16xf32, #tpu.memory_space<vmem_shared>>)
    }
    %scan3A_15 = arith.constant 125 : i32
    %barrier3A_16 = arith.constant 0 : index
    tpu.barrier barrier_id(%barrier3A_16)
    %mul3A_17 = arith.constant 624 : i32
    %mul3A_18 = arith.muli %arg1, %mul3A_17 : i32
    "tpu.region"() ({
      %run_scoped3A_24 = tpu.sem_alloc : memref<!tpu.dma_semaphore, #tpu.memory_space<semaphore_mem>>
      %dma_start3A = arith.constant 0 : i32
      %dma_start3A_25 = tpu.memref_slice %arg5[%arg0, %mul3A_18, %dma_start3A] : memref<2x10000x16xf32, #tpu.memory_space<hbm>> -> memref<1x624x16xf32, #tpu.memory_space<hbm>>
      %dma_start3A_26 = tpu.memref_squeeze %dma_start3A_25 : memref<1x624x16xf32, #tpu.memory_space<hbm>> -> memref<624x16xf32, #tpu.memory_space<hbm>>
      %dma_start3A_27 = arith.constant 0 : i32
      %dma_start3A_28 = tpu.memref_slice %arg8[%mul3A_18, %dma_start3A_27] : memref<10000x16xf32, #tpu.memory_space<vmem_shared>> -> memref<624x16xf32, #tpu.memory_space<vmem_shared>>
      tpu.enqueue_dma source(%dma_start3A_28 : memref<624x16xf32, #tpu.memory_space<vmem_shared>>) target(%dma_start3A_26 : memref<624x16xf32, #tpu.memory_space<hbm>>) target_semaphore(%run_scoped3A_24 : memref<!tpu.dma_semaphore, #tpu.memory_space<semaphore_mem>>)
      %dma_wait3A = arith.constant 0 : i32
      %dma_wait3A_29 = tpu.memref_slice %arg5[%arg0, %mul3A_18, %dma_wait3A] : memref<2x10000x16xf32, #tpu.memory_space<hbm>> -> memref<1x624x16xf32, #tpu.memory_space<hbm>>
      %dma_wait3A_30 = tpu.memref_squeeze %dma_wait3A_29 : memref<1x624x16xf32, #tpu.memory_space<hbm>> -> memref<624x16xf32, #tpu.memory_space<hbm>>
      %dma_wait3A_31 = arith.constant 0 : i32
      %dma_wait3A_32 = tpu.memref_slice %arg8[%mul3A_18, %dma_wait3A_31] : memref<10000x16xf32, #tpu.memory_space<vmem_shared>> -> memref<624x16xf32, #tpu.memory_space<vmem_shared>>
      tpu.wait_dma2 semaphore(%run_scoped3A_24 : memref<!tpu.dma_semaphore, #tpu.memory_space<semaphore_mem>>) src(%dma_wait3A_32 : memref<624x16xf32, #tpu.memory_space<vmem_shared>>) dst(%dma_wait3A_30 : memref<624x16xf32, #tpu.memory_space<hbm>>)
      tpu.yield
    }) : () -> ()
    %eq3A_19 = arith.constant 0 : i32
    %eq3A_20 = arith.cmpi eq, %arg1, %eq3A_19 : i32
    %convert_element_type3A_21 = arith.extui %eq3A_20 : i1 to i32
    %cond3A_22 = arith.constant 0 : i32
    %cond3A_23 = arith.cmpi ne, %convert_element_type3A_21, %cond3A_22 : i32
    scf.if %cond3A_23 {
      "tpu.region"() ({
        %run_scoped3A_24 = tpu.sem_alloc : memref<!tpu.dma_semaphore, #tpu.memory_space<semaphore_mem>>
        %dma_start3A = arith.constant 9984 : i32
        %dma_start3A_25 = arith.constant 0 : i32
        %dma_start3A_26 = tpu.memref_slice %arg5[%arg0, %dma_start3A, %dma_start3A_25] : memref<2x10000x16xf32, #tpu.memory_space<hbm>> -> memref<1x16x16xf32, #tpu.memory_space<hbm>>
        %dma_start3A_27 = tpu.memref_squeeze %dma_start3A_26 : memref<1x16x16xf32, #tpu.memory_space<hbm>> -> memref<16x16xf32, #tpu.memory_space<hbm>>
        %dma_start3A_28 = arith.constant 9984 : i32
        %dma_start3A_29 = arith.constant 0 : i32
        %dma_start3A_30 = tpu.memref_slice %arg8[%dma_start3A_28, %dma_start3A_29] : memref<10000x16xf32, #tpu.memory_space<vmem_shared>> -> memref<16x16xf32, #tpu.memory_space<vmem_shared>>
        tpu.enqueue_dma source(%dma_start3A_30 : memref<16x16xf32, #tpu.memory_space<vmem_shared>>) target(%dma_start3A_27 : memref<16x16xf32, #tpu.memory_space<hbm>>) target_semaphore(%run_scoped3A_24 : memref<!tpu.dma_semaphore, #tpu.memory_space<semaphore_mem>>)
        %dma_wait3A = arith.constant 9984 : i32
        %dma_wait3A_31 = arith.constant 0 : i32
        %dma_wait3A_32 = tpu.memref_slice %arg5[%arg0, %dma_wait3A, %dma_wait3A_31] : memref<2x10000x16xf32, #tpu.memory_space<hbm>> -> memref<1x16x16xf32, #tpu.memory_space<hbm>>
        %dma_wait3A_33 = tpu.memref_squeeze %dma_wait3A_32 : memref<1x16x16xf32, #tpu.memory_space<hbm>> -> memref<16x16xf32, #tpu.memory_space<hbm>>
        %dma_wait3A_34 = arith.constant 9984 : i32
        %dma_wait3A_35 = arith.constant 0 : i32
        %dma_wait3A_36 = tpu.memref_slice %arg8[%dma_wait3A_34, %dma_wait3A_35] : memref<10000x16xf32, #tpu.memory_space<vmem_shared>> -> memref<16x16xf32, #tpu.memory_space<vmem_shared>>
        tpu.wait_dma2 semaphore(%run_scoped3A_24 : memref<!tpu.dma_semaphore, #tpu.memory_space<semaphore_mem>>) src(%dma_wait3A_36 : memref<16x16xf32, #tpu.memory_space<vmem_shared>>) dst(%dma_wait3A_33 : memref<16x16xf32, #tpu.memory_space<hbm>>)
        tpu.yield
      }) : () -> ()
    } else {
    }
    return
  }
}

#map = affine_map<(d0, d1) -> (0, 0)>
#map1 = affine_map<(d0, d1) -> (0, 0, 0)>
module attributes {stable_mosaic.version = 14 : i64} {
  func.func @agg_kernel(%arg0: i32, %arg1: i32, %arg2: memref<10000x64xbf16, #tpu.memory_space<hbm>>, %arg3: memref<2x320000xi32, #tpu.memory_space<hbm>>, %arg4: memref<10000x64xbf16, #tpu.memory_space<hbm>>, %arg5: memref<2x10000x64xbf16, #tpu.memory_space<hbm>>, %arg6: memref<10000xi32, #tpu.memory_space<vmem>>, %arg7: memref<10000xi32, #tpu.memory_space<vmem>>, %arg8: memref<80x64xbf16, #tpu.memory_space<vmem>>, %arg9: memref<80x64xbf16, #tpu.memory_space<vmem>>, %arg10: memref<80x64xbf16, #tpu.memory_space<vmem>>, %arg11: memref<80x64xbf16, #tpu.memory_space<vmem>>, %arg12: memref<10000x64xbf16, #tpu.memory_space<vmem_shared>>, %arg13: memref<!tpu.dma_semaphore, #tpu.memory_space<semaphore_mem>>, %arg14: memref<!tpu.dma_semaphore, #tpu.memory_space<semaphore_mem>>, %arg15: memref<!tpu.dma_semaphore, #tpu.memory_space<semaphore_mem>>, %arg16: memref<!tpu.dma_semaphore, #tpu.memory_space<semaphore_mem>>, %arg17: memref<!tpu.dma_semaphore, #tpu.memory_space<semaphore_mem>>, %arg18: memref<!tpu.dma_semaphore, #tpu.memory_space<semaphore_mem>>, %arg19: memref<!tpu.dma_semaphore, #tpu.memory_space<semaphore_mem>>, %arg20: memref<!tpu.dma_semaphore, #tpu.memory_space<semaphore_mem>>) attributes {dimension_semantics = [#tpu.dimension_semantics<core_parallel>, #tpu.dimension_semantics<subcore_parallel>], iteration_bounds = array<i64: 2, 16>, scalar_prefetch = 0 : i64, scratch_operands = 15 : i64, tpu.core_type = #tpu.core_type<sc_vector_subcore>, window_params = [{transform_indices = #map}, {transform_indices = #map}, {transform_indices = #map}, {transform_indices = #map1}]} {
    %mul3A = arith.constant 2 : i32
    %mul3A_0 = arith.muli %arg1, %mul3A : i32
    %add3A = arith.addi %mul3A_0, %arg0 : i32
    %mul3A_1 = arith.constant 10000 : i32
    %mul3A_2 = arith.muli %mul3A_1, %add3A : i32
    %run_scoped3A = arith.constant 0 : i32
    "tpu.region"() ({
      %run_scoped3A_81 = tpu.sem_alloc : memref<!tpu.dma_semaphore, #tpu.memory_space<semaphore_mem>>
      %dma_start3A_82 = tpu.memref_slice %arg3[%run_scoped3A, %mul3A_2] : memref<2x320000xi32, #tpu.memory_space<hbm>> -> memref<1x10000xi32, #tpu.memory_space<hbm>>
      %dma_start3A_83 = tpu.memref_squeeze %dma_start3A_82 : memref<1x10000xi32, #tpu.memory_space<hbm>> -> memref<10000xi32, #tpu.memory_space<hbm>>
      %dma_start3A_84 = tpu.memref_slice %arg3[%run_scoped3A, %mul3A_2] : memref<2x320000xi32, #tpu.memory_space<hbm>> -> memref<1x10000xi32, #tpu.memory_space<hbm>>
      %dma_start3A_85 = tpu.memref_squeeze %dma_start3A_84 : memref<1x10000xi32, #tpu.memory_space<hbm>> -> memref<10000xi32, #tpu.memory_space<hbm>>
      tpu.enqueue_dma source(%dma_start3A_85 : memref<10000xi32, #tpu.memory_space<hbm>>) target(%arg6 : memref<10000xi32, #tpu.memory_space<vmem>>) target_semaphore(%run_scoped3A_81 : memref<!tpu.dma_semaphore, #tpu.memory_space<semaphore_mem>>)
      %dma_wait3A_86 = tpu.memref_slice %arg3[%run_scoped3A, %mul3A_2] : memref<2x320000xi32, #tpu.memory_space<hbm>> -> memref<1x10000xi32, #tpu.memory_space<hbm>>
      %dma_wait3A_87 = tpu.memref_squeeze %dma_wait3A_86 : memref<1x10000xi32, #tpu.memory_space<hbm>> -> memref<10000xi32, #tpu.memory_space<hbm>>
      %dma_wait3A_88 = tpu.memref_slice %arg3[%run_scoped3A, %mul3A_2] : memref<2x320000xi32, #tpu.memory_space<hbm>> -> memref<1x10000xi32, #tpu.memory_space<hbm>>
      %dma_wait3A_89 = tpu.memref_squeeze %dma_wait3A_88 : memref<1x10000xi32, #tpu.memory_space<hbm>> -> memref<10000xi32, #tpu.memory_space<hbm>>
      tpu.wait_dma2 semaphore(%run_scoped3A_81 : memref<!tpu.dma_semaphore, #tpu.memory_space<semaphore_mem>>) src(%dma_wait3A_89 : memref<10000xi32, #tpu.memory_space<hbm>>) dst(%arg6 : memref<10000xi32, #tpu.memory_space<vmem>>)
      tpu.yield
    }) : () -> ()
    %mul3A_3 = arith.constant 10000 : i32
    %mul3A_4 = arith.muli %mul3A_3, %add3A : i32
    %run_scoped3A_5 = arith.constant 1 : i32
    "tpu.region"() ({
      %run_scoped3A_81 = tpu.sem_alloc : memref<!tpu.dma_semaphore, #tpu.memory_space<semaphore_mem>>
      %dma_start3A_82 = tpu.memref_slice %arg3[%run_scoped3A_5, %mul3A_4] : memref<2x320000xi32, #tpu.memory_space<hbm>> -> memref<1x10000xi32, #tpu.memory_space<hbm>>
      %dma_start3A_83 = tpu.memref_squeeze %dma_start3A_82 : memref<1x10000xi32, #tpu.memory_space<hbm>> -> memref<10000xi32, #tpu.memory_space<hbm>>
      %dma_start3A_84 = tpu.memref_slice %arg3[%run_scoped3A_5, %mul3A_4] : memref<2x320000xi32, #tpu.memory_space<hbm>> -> memref<1x10000xi32, #tpu.memory_space<hbm>>
      %dma_start3A_85 = tpu.memref_squeeze %dma_start3A_84 : memref<1x10000xi32, #tpu.memory_space<hbm>> -> memref<10000xi32, #tpu.memory_space<hbm>>
      tpu.enqueue_dma source(%dma_start3A_85 : memref<10000xi32, #tpu.memory_space<hbm>>) target(%arg7 : memref<10000xi32, #tpu.memory_space<vmem>>) target_semaphore(%run_scoped3A_81 : memref<!tpu.dma_semaphore, #tpu.memory_space<semaphore_mem>>)
      %dma_wait3A_86 = tpu.memref_slice %arg3[%run_scoped3A_5, %mul3A_4] : memref<2x320000xi32, #tpu.memory_space<hbm>> -> memref<1x10000xi32, #tpu.memory_space<hbm>>
      %dma_wait3A_87 = tpu.memref_squeeze %dma_wait3A_86 : memref<1x10000xi32, #tpu.memory_space<hbm>> -> memref<10000xi32, #tpu.memory_space<hbm>>
      %dma_wait3A_88 = tpu.memref_slice %arg3[%run_scoped3A_5, %mul3A_4] : memref<2x320000xi32, #tpu.memory_space<hbm>> -> memref<1x10000xi32, #tpu.memory_space<hbm>>
      %dma_wait3A_89 = tpu.memref_squeeze %dma_wait3A_88 : memref<1x10000xi32, #tpu.memory_space<hbm>> -> memref<10000xi32, #tpu.memory_space<hbm>>
      tpu.wait_dma2 semaphore(%run_scoped3A_81 : memref<!tpu.dma_semaphore, #tpu.memory_space<semaphore_mem>>) src(%dma_wait3A_89 : memref<10000xi32, #tpu.memory_space<hbm>>) dst(%arg7 : memref<10000xi32, #tpu.memory_space<vmem>>)
      tpu.yield
    }) : () -> ()
    %mul3A_6 = arith.constant 624 : i32
    %mul3A_7 = arith.muli %arg1, %mul3A_6 : i32
    "tpu.region"() ({
      %run_scoped3A_81 = tpu.sem_alloc : memref<!tpu.dma_semaphore, #tpu.memory_space<semaphore_mem>>
      %dma_start3A_82 = arith.constant 0 : i32
      %dma_start3A_83 = tpu.memref_slice %arg12[%mul3A_7, %dma_start3A_82] : memref<10000x64xbf16, #tpu.memory_space<vmem_shared>> -> memref<624x64xbf16, #tpu.memory_space<vmem_shared>>
      %dma_start3A_84 = arith.constant 0 : i32
      %dma_start3A_85 = tpu.memref_slice %arg4[%mul3A_7, %dma_start3A_84] : memref<10000x64xbf16, #tpu.memory_space<hbm>> -> memref<624x64xbf16, #tpu.memory_space<hbm>>
      tpu.enqueue_dma source(%dma_start3A_85 : memref<624x64xbf16, #tpu.memory_space<hbm>>) target(%dma_start3A_83 : memref<624x64xbf16, #tpu.memory_space<vmem_shared>>) target_semaphore(%run_scoped3A_81 : memref<!tpu.dma_semaphore, #tpu.memory_space<semaphore_mem>>)
      %dma_wait3A_86 = arith.constant 0 : i32
      %dma_wait3A_87 = tpu.memref_slice %arg12[%mul3A_7, %dma_wait3A_86] : memref<10000x64xbf16, #tpu.memory_space<vmem_shared>> -> memref<624x64xbf16, #tpu.memory_space<vmem_shared>>
      %dma_wait3A_88 = arith.constant 0 : i32
      %dma_wait3A_89 = tpu.memref_slice %arg4[%mul3A_7, %dma_wait3A_88] : memref<10000x64xbf16, #tpu.memory_space<hbm>> -> memref<624x64xbf16, #tpu.memory_space<hbm>>
      tpu.wait_dma2 semaphore(%run_scoped3A_81 : memref<!tpu.dma_semaphore, #tpu.memory_space<semaphore_mem>>) src(%dma_wait3A_89 : memref<624x64xbf16, #tpu.memory_space<hbm>>) dst(%dma_wait3A_87 : memref<624x64xbf16, #tpu.memory_space<vmem_shared>>)
      tpu.yield
    }) : () -> ()
    %eq3A = arith.constant 0 : i32
    %eq3A_8 = arith.cmpi eq, %arg1, %eq3A : i32
    %convert_element_type3A = arith.extui %eq3A_8 : i1 to i32
    %cond3A = arith.constant 0 : i32
    %cond3A_9 = arith.cmpi ne, %convert_element_type3A, %cond3A : i32
    scf.if %cond3A_9 {
      "tpu.region"() ({
        %run_scoped3A_81 = tpu.sem_alloc : memref<!tpu.dma_semaphore, #tpu.memory_space<semaphore_mem>>
        %dma_start3A_82 = arith.constant 9984 : i32
        %dma_start3A_83 = arith.constant 0 : i32
        %dma_start3A_84 = tpu.memref_slice %arg12[%dma_start3A_82, %dma_start3A_83] : memref<10000x64xbf16, #tpu.memory_space<vmem_shared>> -> memref<16x64xbf16, #tpu.memory_space<vmem_shared>>
        %dma_start3A_85 = arith.constant 9984 : i32
        %dma_start3A_86 = arith.constant 0 : i32
        %dma_start3A_87 = tpu.memref_slice %arg4[%dma_start3A_85, %dma_start3A_86] : memref<10000x64xbf16, #tpu.memory_space<hbm>> -> memref<16x64xbf16, #tpu.memory_space<hbm>>
        tpu.enqueue_dma source(%dma_start3A_87 : memref<16x64xbf16, #tpu.memory_space<hbm>>) target(%dma_start3A_84 : memref<16x64xbf16, #tpu.memory_space<vmem_shared>>) target_semaphore(%run_scoped3A_81 : memref<!tpu.dma_semaphore, #tpu.memory_space<semaphore_mem>>)
        %dma_wait3A_88 = arith.constant 9984 : i32
        %dma_wait3A_89 = arith.constant 0 : i32
        %dma_wait3A_90 = tpu.memref_slice %arg12[%dma_wait3A_88, %dma_wait3A_89] : memref<10000x64xbf16, #tpu.memory_space<vmem_shared>> -> memref<16x64xbf16, #tpu.memory_space<vmem_shared>>
        %dma_wait3A_91 = arith.constant 9984 : i32
        %dma_wait3A_92 = arith.constant 0 : i32
        %dma_wait3A_93 = tpu.memref_slice %arg4[%dma_wait3A_91, %dma_wait3A_92] : memref<10000x64xbf16, #tpu.memory_space<hbm>> -> memref<16x64xbf16, #tpu.memory_space<hbm>>
        tpu.wait_dma2 semaphore(%run_scoped3A_81 : memref<!tpu.dma_semaphore, #tpu.memory_space<semaphore_mem>>) src(%dma_wait3A_93 : memref<16x64xbf16, #tpu.memory_space<hbm>>) dst(%dma_wait3A_90 : memref<16x64xbf16, #tpu.memory_space<vmem_shared>>)
        tpu.yield
      }) : () -> ()
    } else {
    }
    %barrier3A = arith.constant 0 : index
    tpu.barrier barrier_id(%barrier3A)
    %dma_start3A = arith.constant 0 : i32
    %dma_start3A_10 = tpu.memref_slice %arg6[%dma_start3A] : memref<10000xi32, #tpu.memory_space<vmem>> -> memref<80xi32, #tpu.memory_space<vmem>>
    %dma_start3A_11 = arith.constant 0 : i32
    %dma_start3A_12 = arith.constant 0 : i32
    %dma_start3A_13 = tpu.memref_slice %arg2[%dma_start3A_11, %dma_start3A_12] : memref<10000x64xbf16, #tpu.memory_space<hbm>> -> memref<10000x64xbf16, #tpu.memory_space<hbm>>
    tpu.enqueue_indirect_dma source(%dma_start3A_13 : memref<10000x64xbf16, #tpu.memory_space<hbm>>) target(%arg8 : memref<80x64xbf16, #tpu.memory_space<vmem>>) offsets(%dma_start3A_10 : memref<80xi32, #tpu.memory_space<vmem>>) semaphore(%arg13 : memref<!tpu.dma_semaphore, #tpu.memory_space<semaphore_mem>>)
    %dma_start3A_14 = arith.constant 80 : i32
    %dma_start3A_15 = tpu.memref_slice %arg6[%dma_start3A_14] : memref<10000xi32, #tpu.memory_space<vmem>> -> memref<80xi32, #tpu.memory_space<vmem>>
    %dma_start3A_16 = arith.constant 0 : i32
    %dma_start3A_17 = arith.constant 0 : i32
    %dma_start3A_18 = tpu.memref_slice %arg2[%dma_start3A_16, %dma_start3A_17] : memref<10000x64xbf16, #tpu.memory_space<hbm>> -> memref<10000x64xbf16, #tpu.memory_space<hbm>>
    tpu.enqueue_indirect_dma source(%dma_start3A_18 : memref<10000x64xbf16, #tpu.memory_space<hbm>>) target(%arg9 : memref<80x64xbf16, #tpu.memory_space<vmem>>) offsets(%dma_start3A_15 : memref<80xi32, #tpu.memory_space<vmem>>) semaphore(%arg14 : memref<!tpu.dma_semaphore, #tpu.memory_space<semaphore_mem>>)
    %dma_start3A_19 = arith.constant 160 : i32
    %dma_start3A_20 = tpu.memref_slice %arg6[%dma_start3A_19] : memref<10000xi32, #tpu.memory_space<vmem>> -> memref<80xi32, #tpu.memory_space<vmem>>
    %dma_start3A_21 = arith.constant 0 : i32
    %dma_start3A_22 = arith.constant 0 : i32
    %dma_start3A_23 = tpu.memref_slice %arg2[%dma_start3A_21, %dma_start3A_22] : memref<10000x64xbf16, #tpu.memory_space<hbm>> -> memref<10000x64xbf16, #tpu.memory_space<hbm>>
    tpu.enqueue_indirect_dma source(%dma_start3A_23 : memref<10000x64xbf16, #tpu.memory_space<hbm>>) target(%arg10 : memref<80x64xbf16, #tpu.memory_space<vmem>>) offsets(%dma_start3A_20 : memref<80xi32, #tpu.memory_space<vmem>>) semaphore(%arg15 : memref<!tpu.dma_semaphore, #tpu.memory_space<semaphore_mem>>)
    %dma_start3A_24 = arith.constant 240 : i32
    %dma_start3A_25 = tpu.memref_slice %arg6[%dma_start3A_24] : memref<10000xi32, #tpu.memory_space<vmem>> -> memref<80xi32, #tpu.memory_space<vmem>>
    %dma_start3A_26 = arith.constant 0 : i32
    %dma_start3A_27 = arith.constant 0 : i32
    %dma_start3A_28 = tpu.memref_slice %arg2[%dma_start3A_26, %dma_start3A_27] : memref<10000x64xbf16, #tpu.memory_space<hbm>> -> memref<10000x64xbf16, #tpu.memory_space<hbm>>
    tpu.enqueue_indirect_dma source(%dma_start3A_28 : memref<10000x64xbf16, #tpu.memory_space<hbm>>) target(%arg11 : memref<80x64xbf16, #tpu.memory_space<vmem>>) offsets(%dma_start3A_25 : memref<80xi32, #tpu.memory_space<vmem>>) semaphore(%arg16 : memref<!tpu.dma_semaphore, #tpu.memory_space<semaphore_mem>>)
    %scan3A = arith.constant 0 : i32
    %scan3A_29 = arith.constant 31 : i32
    %scan3A_30 = arith.addi %scan3A, %scan3A_29 : i32
    %scan3A_31 = arith.constant 1 : i32
    scf.for %scan3A_81 = %scan3A to %scan3A_30 step %scan3A_31  : i32 {
      %mul3A_82 = arith.constant 1 : i32
      %mul3A_83 = arith.muli %scan3A_81, %mul3A_82 : i32
      %add3A_84 = arith.constant 0 : i32
      %add3A_85 = arith.addi %add3A_84, %mul3A_83 : i32
      %mul3A_86 = arith.constant 4 : i32
      %mul3A_87 = arith.muli %mul3A_86, %add3A_85 : i32
      %dma_wait3A_88 = arith.constant 0 : i32
      %dma_wait3A_89 = arith.constant 0 : i32
      %dma_wait3A_90 = tpu.memref_slice %arg2[%dma_wait3A_88, %dma_wait3A_89] : memref<10000x64xbf16, #tpu.memory_space<hbm>> -> memref<80x64xbf16, #tpu.memory_space<hbm>>
      %dma_wait3A_91 = arith.constant 0 : i32
      %dma_wait3A_92 = arith.constant 0 : i32
      %dma_wait3A_93 = tpu.memref_slice %arg2[%dma_wait3A_91, %dma_wait3A_92] : memref<10000x64xbf16, #tpu.memory_space<hbm>> -> memref<80x64xbf16, #tpu.memory_space<hbm>>
      tpu.wait_dma2 semaphore(%arg13 : memref<!tpu.dma_semaphore, #tpu.memory_space<semaphore_mem>>) src(%dma_wait3A_93 : memref<80x64xbf16, #tpu.memory_space<hbm>>) dst(%arg8 : memref<80x64xbf16, #tpu.memory_space<vmem>>)
      %add3A_94 = arith.constant 0 : i32
      %add3A_95 = arith.addi %mul3A_87, %add3A_94 : i32
      %mul3A_96 = arith.constant 80 : i32
      %mul3A_97 = arith.muli %add3A_95, %mul3A_96 : i32
      %dma_start3A_98 = tpu.memref_slice %arg7[%mul3A_97] : memref<10000xi32, #tpu.memory_space<vmem>> -> memref<80xi32, #tpu.memory_space<vmem>>
      %dma_start3A_99 = arith.constant 0 : i32
      %dma_start3A_100 = arith.constant 0 : i32
      %dma_start3A_101 = tpu.memref_slice %arg12[%dma_start3A_99, %dma_start3A_100] : memref<10000x64xbf16, #tpu.memory_space<vmem_shared>> -> memref<10000x64xbf16, #tpu.memory_space<vmem_shared>>
      tpu.enqueue_indirect_dma source(%arg8 : memref<80x64xbf16, #tpu.memory_space<vmem>>) target(%dma_start3A_101 : memref<10000x64xbf16, #tpu.memory_space<vmem_shared>>) offsets(%dma_start3A_98 : memref<80xi32, #tpu.memory_space<vmem>>) semaphore(%arg17 : memref<!tpu.dma_semaphore, #tpu.memory_space<semaphore_mem>>) {add = true}
      %dma_wait3A_102 = arith.constant 0 : i32
      %dma_wait3A_103 = arith.constant 0 : i32
      %dma_wait3A_104 = tpu.memref_slice %arg2[%dma_wait3A_102, %dma_wait3A_103] : memref<10000x64xbf16, #tpu.memory_space<hbm>> -> memref<80x64xbf16, #tpu.memory_space<hbm>>
      %dma_wait3A_105 = arith.constant 0 : i32
      %dma_wait3A_106 = arith.constant 0 : i32
      %dma_wait3A_107 = tpu.memref_slice %arg2[%dma_wait3A_105, %dma_wait3A_106] : memref<10000x64xbf16, #tpu.memory_space<hbm>> -> memref<80x64xbf16, #tpu.memory_space<hbm>>
      tpu.wait_dma2 semaphore(%arg14 : memref<!tpu.dma_semaphore, #tpu.memory_space<semaphore_mem>>) src(%dma_wait3A_107 : memref<80x64xbf16, #tpu.memory_space<hbm>>) dst(%arg9 : memref<80x64xbf16, #tpu.memory_space<vmem>>)
      %add3A_108 = arith.constant 1 : i32
      %add3A_109 = arith.addi %mul3A_87, %add3A_108 : i32
      %mul3A_110 = arith.constant 80 : i32
      %mul3A_111 = arith.muli %add3A_109, %mul3A_110 : i32
      %dma_start3A_112 = tpu.memref_slice %arg7[%mul3A_111] : memref<10000xi32, #tpu.memory_space<vmem>> -> memref<80xi32, #tpu.memory_space<vmem>>
      %dma_start3A_113 = arith.constant 0 : i32
      %dma_start3A_114 = arith.constant 0 : i32
      %dma_start3A_115 = tpu.memref_slice %arg12[%dma_start3A_113, %dma_start3A_114] : memref<10000x64xbf16, #tpu.memory_space<vmem_shared>> -> memref<10000x64xbf16, #tpu.memory_space<vmem_shared>>
      tpu.enqueue_indirect_dma source(%arg9 : memref<80x64xbf16, #tpu.memory_space<vmem>>) target(%dma_start3A_115 : memref<10000x64xbf16, #tpu.memory_space<vmem_shared>>) offsets(%dma_start3A_112 : memref<80xi32, #tpu.memory_space<vmem>>) semaphore(%arg18 : memref<!tpu.dma_semaphore, #tpu.memory_space<semaphore_mem>>) {add = true}
      %dma_wait3A_116 = arith.constant 0 : i32
      %dma_wait3A_117 = arith.constant 0 : i32
      %dma_wait3A_118 = tpu.memref_slice %arg2[%dma_wait3A_116, %dma_wait3A_117] : memref<10000x64xbf16, #tpu.memory_space<hbm>> -> memref<80x64xbf16, #tpu.memory_space<hbm>>
      %dma_wait3A_119 = arith.constant 0 : i32
      %dma_wait3A_120 = arith.constant 0 : i32
      %dma_wait3A_121 = tpu.memref_slice %arg2[%dma_wait3A_119, %dma_wait3A_120] : memref<10000x64xbf16, #tpu.memory_space<hbm>> -> memref<80x64xbf16, #tpu.memory_space<hbm>>
      tpu.wait_dma2 semaphore(%arg15 : memref<!tpu.dma_semaphore, #tpu.memory_space<semaphore_mem>>) src(%dma_wait3A_121 : memref<80x64xbf16, #tpu.memory_space<hbm>>) dst(%arg10 : memref<80x64xbf16, #tpu.memory_space<vmem>>)
      %add3A_122 = arith.constant 2 : i32
      %add3A_123 = arith.addi %mul3A_87, %add3A_122 : i32
      %mul3A_124 = arith.constant 80 : i32
      %mul3A_125 = arith.muli %add3A_123, %mul3A_124 : i32
      %dma_start3A_126 = tpu.memref_slice %arg7[%mul3A_125] : memref<10000xi32, #tpu.memory_space<vmem>> -> memref<80xi32, #tpu.memory_space<vmem>>
      %dma_start3A_127 = arith.constant 0 : i32
      %dma_start3A_128 = arith.constant 0 : i32
      %dma_start3A_129 = tpu.memref_slice %arg12[%dma_start3A_127, %dma_start3A_128] : memref<10000x64xbf16, #tpu.memory_space<vmem_shared>> -> memref<10000x64xbf16, #tpu.memory_space<vmem_shared>>
      tpu.enqueue_indirect_dma source(%arg10 : memref<80x64xbf16, #tpu.memory_space<vmem>>) target(%dma_start3A_129 : memref<10000x64xbf16, #tpu.memory_space<vmem_shared>>) offsets(%dma_start3A_126 : memref<80xi32, #tpu.memory_space<vmem>>) semaphore(%arg19 : memref<!tpu.dma_semaphore, #tpu.memory_space<semaphore_mem>>) {add = true}
      %dma_wait3A_130 = arith.constant 0 : i32
      %dma_wait3A_131 = arith.constant 0 : i32
      %dma_wait3A_132 = tpu.memref_slice %arg2[%dma_wait3A_130, %dma_wait3A_131] : memref<10000x64xbf16, #tpu.memory_space<hbm>> -> memref<80x64xbf16, #tpu.memory_space<hbm>>
      %dma_wait3A_133 = arith.constant 0 : i32
      %dma_wait3A_134 = arith.constant 0 : i32
      %dma_wait3A_135 = tpu.memref_slice %arg2[%dma_wait3A_133, %dma_wait3A_134] : memref<10000x64xbf16, #tpu.memory_space<hbm>> -> memref<80x64xbf16, #tpu.memory_space<hbm>>
      tpu.wait_dma2 semaphore(%arg16 : memref<!tpu.dma_semaphore, #tpu.memory_space<semaphore_mem>>) src(%dma_wait3A_135 : memref<80x64xbf16, #tpu.memory_space<hbm>>) dst(%arg11 : memref<80x64xbf16, #tpu.memory_space<vmem>>)
      %add3A_136 = arith.constant 3 : i32
      %add3A_137 = arith.addi %mul3A_87, %add3A_136 : i32
      %mul3A_138 = arith.constant 80 : i32
      %mul3A_139 = arith.muli %add3A_137, %mul3A_138 : i32
      %dma_start3A_140 = tpu.memref_slice %arg7[%mul3A_139] : memref<10000xi32, #tpu.memory_space<vmem>> -> memref<80xi32, #tpu.memory_space<vmem>>
      %dma_start3A_141 = arith.constant 0 : i32
      %dma_start3A_142 = arith.constant 0 : i32
      %dma_start3A_143 = tpu.memref_slice %arg12[%dma_start3A_141, %dma_start3A_142] : memref<10000x64xbf16, #tpu.memory_space<vmem_shared>> -> memref<10000x64xbf16, #tpu.memory_space<vmem_shared>>
      tpu.enqueue_indirect_dma source(%arg11 : memref<80x64xbf16, #tpu.memory_space<vmem>>) target(%dma_start3A_143 : memref<10000x64xbf16, #tpu.memory_space<vmem_shared>>) offsets(%dma_start3A_140 : memref<80xi32, #tpu.memory_space<vmem>>) semaphore(%arg20 : memref<!tpu.dma_semaphore, #tpu.memory_space<semaphore_mem>>) {add = true}
      %lt3A = arith.constant 30 : i32
      %lt3A_144 = arith.cmpi slt, %add3A_85, %lt3A : i32
      %convert_element_type3A_145 = arith.extui %lt3A_144 : i1 to i32
      %cond3A_146 = arith.constant 0 : i32
      %cond3A_147 = arith.cmpi ne, %convert_element_type3A_145, %cond3A_146 : i32
      scf.if %cond3A_147 {
        %dma_wait3A_163 = arith.constant 0 : i32
        %dma_wait3A_164 = tpu.memref_slice %arg7[%dma_wait3A_163] : memref<10000xi32, #tpu.memory_space<vmem>> -> memref<80xi32, #tpu.memory_space<vmem>>
        %dma_wait3A_165 = arith.constant 0 : i32
        %dma_wait3A_166 = arith.constant 0 : i32
        %dma_wait3A_167 = tpu.memref_slice %arg12[%dma_wait3A_165, %dma_wait3A_166] : memref<10000x64xbf16, #tpu.memory_space<vmem_shared>> -> memref<10000x64xbf16, #tpu.memory_space<vmem_shared>>
        tpu.wait_indirect_dma semaphore(%arg17 : memref<!tpu.dma_semaphore, #tpu.memory_space<semaphore_mem>>) src(%arg8 : memref<80x64xbf16, #tpu.memory_space<vmem>>) dst(%dma_wait3A_167 : memref<10000x64xbf16, #tpu.memory_space<vmem_shared>>)
        %add3A_168 = arith.constant 4 : i32
        %add3A_169 = arith.addi %mul3A_87, %add3A_168 : i32
        %add3A_170 = arith.constant 0 : i32
        %add3A_171 = arith.addi %add3A_169, %add3A_170 : i32
        %mul3A_172 = arith.constant 80 : i32
        %mul3A_173 = arith.muli %add3A_171, %mul3A_172 : i32
        %dma_start3A_174 = tpu.memref_slice %arg6[%mul3A_173] : memref<10000xi32, #tpu.memory_space<vmem>> -> memref<80xi32, #tpu.memory_space<vmem>>
        %dma_start3A_175 = arith.constant 0 : i32
        %dma_start3A_176 = arith.constant 0 : i32
        %dma_start3A_177 = tpu.memref_slice %arg2[%dma_start3A_175, %dma_start3A_176] : memref<10000x64xbf16, #tpu.memory_space<hbm>> -> memref<10000x64xbf16, #tpu.memory_space<hbm>>
        tpu.enqueue_indirect_dma source(%dma_start3A_177 : memref<10000x64xbf16, #tpu.memory_space<hbm>>) target(%arg8 : memref<80x64xbf16, #tpu.memory_space<vmem>>) offsets(%dma_start3A_174 : memref<80xi32, #tpu.memory_space<vmem>>) semaphore(%arg13 : memref<!tpu.dma_semaphore, #tpu.memory_space<semaphore_mem>>)
      } else {
      }
      %lt3A_148 = arith.constant 30 : i32
      %lt3A_149 = arith.cmpi slt, %add3A_85, %lt3A_148 : i32
      %convert_element_type3A_150 = arith.extui %lt3A_149 : i1 to i32
      %cond3A_151 = arith.constant 0 : i32
      %cond3A_152 = arith.cmpi ne, %convert_element_type3A_150, %cond3A_151 : i32
      scf.if %cond3A_152 {
        %dma_wait3A_163 = arith.constant 0 : i32
        %dma_wait3A_164 = tpu.memref_slice %arg7[%dma_wait3A_163] : memref<10000xi32, #tpu.memory_space<vmem>> -> memref<80xi32, #tpu.memory_space<vmem>>
        %dma_wait3A_165 = arith.constant 0 : i32
        %dma_wait3A_166 = arith.constant 0 : i32
        %dma_wait3A_167 = tpu.memref_slice %arg12[%dma_wait3A_165, %dma_wait3A_166] : memref<10000x64xbf16, #tpu.memory_space<vmem_shared>> -> memref<10000x64xbf16, #tpu.memory_space<vmem_shared>>
        tpu.wait_indirect_dma semaphore(%arg18 : memref<!tpu.dma_semaphore, #tpu.memory_space<semaphore_mem>>) src(%arg9 : memref<80x64xbf16, #tpu.memory_space<vmem>>) dst(%dma_wait3A_167 : memref<10000x64xbf16, #tpu.memory_space<vmem_shared>>)
        %add3A_168 = arith.constant 4 : i32
        %add3A_169 = arith.addi %mul3A_87, %add3A_168 : i32
        %add3A_170 = arith.constant 1 : i32
        %add3A_171 = arith.addi %add3A_169, %add3A_170 : i32
        %mul3A_172 = arith.constant 80 : i32
        %mul3A_173 = arith.muli %add3A_171, %mul3A_172 : i32
        %dma_start3A_174 = tpu.memref_slice %arg6[%mul3A_173] : memref<10000xi32, #tpu.memory_space<vmem>> -> memref<80xi32, #tpu.memory_space<vmem>>
        %dma_start3A_175 = arith.constant 0 : i32
        %dma_start3A_176 = arith.constant 0 : i32
        %dma_start3A_177 = tpu.memref_slice %arg2[%dma_start3A_175, %dma_start3A_176] : memref<10000x64xbf16, #tpu.memory_space<hbm>> -> memref<10000x64xbf16, #tpu.memory_space<hbm>>
        tpu.enqueue_indirect_dma source(%dma_start3A_177 : memref<10000x64xbf16, #tpu.memory_space<hbm>>) target(%arg9 : memref<80x64xbf16, #tpu.memory_space<vmem>>) offsets(%dma_start3A_174 : memref<80xi32, #tpu.memory_space<vmem>>) semaphore(%arg14 : memref<!tpu.dma_semaphore, #tpu.memory_space<semaphore_mem>>)
      } else {
      }
      %lt3A_153 = arith.constant 30 : i32
      %lt3A_154 = arith.cmpi slt, %add3A_85, %lt3A_153 : i32
      %convert_element_type3A_155 = arith.extui %lt3A_154 : i1 to i32
      %cond3A_156 = arith.constant 0 : i32
      %cond3A_157 = arith.cmpi ne, %convert_element_type3A_155, %cond3A_156 : i32
      scf.if %cond3A_157 {
        %dma_wait3A_163 = arith.constant 0 : i32
        %dma_wait3A_164 = tpu.memref_slice %arg7[%dma_wait3A_163] : memref<10000xi32, #tpu.memory_space<vmem>> -> memref<80xi32, #tpu.memory_space<vmem>>
        %dma_wait3A_165 = arith.constant 0 : i32
        %dma_wait3A_166 = arith.constant 0 : i32
        %dma_wait3A_167 = tpu.memref_slice %arg12[%dma_wait3A_165, %dma_wait3A_166] : memref<10000x64xbf16, #tpu.memory_space<vmem_shared>> -> memref<10000x64xbf16, #tpu.memory_space<vmem_shared>>
        tpu.wait_indirect_dma semaphore(%arg19 : memref<!tpu.dma_semaphore, #tpu.memory_space<semaphore_mem>>) src(%arg10 : memref<80x64xbf16, #tpu.memory_space<vmem>>) dst(%dma_wait3A_167 : memref<10000x64xbf16, #tpu.memory_space<vmem_shared>>)
        %add3A_168 = arith.constant 4 : i32
        %add3A_169 = arith.addi %mul3A_87, %add3A_168 : i32
        %add3A_170 = arith.constant 2 : i32
        %add3A_171 = arith.addi %add3A_169, %add3A_170 : i32
        %mul3A_172 = arith.constant 80 : i32
        %mul3A_173 = arith.muli %add3A_171, %mul3A_172 : i32
        %dma_start3A_174 = tpu.memref_slice %arg6[%mul3A_173] : memref<10000xi32, #tpu.memory_space<vmem>> -> memref<80xi32, #tpu.memory_space<vmem>>
        %dma_start3A_175 = arith.constant 0 : i32
        %dma_start3A_176 = arith.constant 0 : i32
        %dma_start3A_177 = tpu.memref_slice %arg2[%dma_start3A_175, %dma_start3A_176] : memref<10000x64xbf16, #tpu.memory_space<hbm>> -> memref<10000x64xbf16, #tpu.memory_space<hbm>>
        tpu.enqueue_indirect_dma source(%dma_start3A_177 : memref<10000x64xbf16, #tpu.memory_space<hbm>>) target(%arg10 : memref<80x64xbf16, #tpu.memory_space<vmem>>) offsets(%dma_start3A_174 : memref<80xi32, #tpu.memory_space<vmem>>) semaphore(%arg15 : memref<!tpu.dma_semaphore, #tpu.memory_space<semaphore_mem>>)
      } else {
      }
      %lt3A_158 = arith.constant 30 : i32
      %lt3A_159 = arith.cmpi slt, %add3A_85, %lt3A_158 : i32
      %convert_element_type3A_160 = arith.extui %lt3A_159 : i1 to i32
      %cond3A_161 = arith.constant 0 : i32
      %cond3A_162 = arith.cmpi ne, %convert_element_type3A_160, %cond3A_161 : i32
      scf.if %cond3A_162 {
        %dma_wait3A_163 = arith.constant 0 : i32
        %dma_wait3A_164 = tpu.memref_slice %arg7[%dma_wait3A_163] : memref<10000xi32, #tpu.memory_space<vmem>> -> memref<80xi32, #tpu.memory_space<vmem>>
        %dma_wait3A_165 = arith.constant 0 : i32
        %dma_wait3A_166 = arith.constant 0 : i32
        %dma_wait3A_167 = tpu.memref_slice %arg12[%dma_wait3A_165, %dma_wait3A_166] : memref<10000x64xbf16, #tpu.memory_space<vmem_shared>> -> memref<10000x64xbf16, #tpu.memory_space<vmem_shared>>
        tpu.wait_indirect_dma semaphore(%arg20 : memref<!tpu.dma_semaphore, #tpu.memory_space<semaphore_mem>>) src(%arg11 : memref<80x64xbf16, #tpu.memory_space<vmem>>) dst(%dma_wait3A_167 : memref<10000x64xbf16, #tpu.memory_space<vmem_shared>>)
        %add3A_168 = arith.constant 4 : i32
        %add3A_169 = arith.addi %mul3A_87, %add3A_168 : i32
        %add3A_170 = arith.constant 3 : i32
        %add3A_171 = arith.addi %add3A_169, %add3A_170 : i32
        %mul3A_172 = arith.constant 80 : i32
        %mul3A_173 = arith.muli %add3A_171, %mul3A_172 : i32
        %dma_start3A_174 = tpu.memref_slice %arg6[%mul3A_173] : memref<10000xi32, #tpu.memory_space<vmem>> -> memref<80xi32, #tpu.memory_space<vmem>>
        %dma_start3A_175 = arith.constant 0 : i32
        %dma_start3A_176 = arith.constant 0 : i32
        %dma_start3A_177 = tpu.memref_slice %arg2[%dma_start3A_175, %dma_start3A_176] : memref<10000x64xbf16, #tpu.memory_space<hbm>> -> memref<10000x64xbf16, #tpu.memory_space<hbm>>
        tpu.enqueue_indirect_dma source(%dma_start3A_177 : memref<10000x64xbf16, #tpu.memory_space<hbm>>) target(%arg11 : memref<80x64xbf16, #tpu.memory_space<vmem>>) offsets(%dma_start3A_174 : memref<80xi32, #tpu.memory_space<vmem>>) semaphore(%arg16 : memref<!tpu.dma_semaphore, #tpu.memory_space<semaphore_mem>>)
      } else {
      }
    }
    %scan3A_32 = arith.constant 31 : i32
    %dma_wait3A = arith.constant 0 : i32
    %dma_wait3A_33 = tpu.memref_slice %arg7[%dma_wait3A] : memref<10000xi32, #tpu.memory_space<vmem>> -> memref<80xi32, #tpu.memory_space<vmem>>
    %dma_wait3A_34 = arith.constant 0 : i32
    %dma_wait3A_35 = arith.constant 0 : i32
    %dma_wait3A_36 = tpu.memref_slice %arg12[%dma_wait3A_34, %dma_wait3A_35] : memref<10000x64xbf16, #tpu.memory_space<vmem_shared>> -> memref<10000x64xbf16, #tpu.memory_space<vmem_shared>>
    tpu.wait_indirect_dma semaphore(%arg17 : memref<!tpu.dma_semaphore, #tpu.memory_space<semaphore_mem>>) src(%arg8 : memref<80x64xbf16, #tpu.memory_space<vmem>>) dst(%dma_wait3A_36 : memref<10000x64xbf16, #tpu.memory_space<vmem_shared>>)
    %dma_start3A_37 = arith.constant 9920 : i32
    %dma_start3A_38 = tpu.memref_slice %arg6[%dma_start3A_37] : memref<10000xi32, #tpu.memory_space<vmem>> -> memref<80xi32, #tpu.memory_space<vmem>>
    %dma_start3A_39 = arith.constant 0 : i32
    %dma_start3A_40 = arith.constant 0 : i32
    %dma_start3A_41 = tpu.memref_slice %arg2[%dma_start3A_39, %dma_start3A_40] : memref<10000x64xbf16, #tpu.memory_space<hbm>> -> memref<10000x64xbf16, #tpu.memory_space<hbm>>
    tpu.enqueue_indirect_dma source(%dma_start3A_41 : memref<10000x64xbf16, #tpu.memory_space<hbm>>) target(%arg8 : memref<80x64xbf16, #tpu.memory_space<vmem>>) offsets(%dma_start3A_38 : memref<80xi32, #tpu.memory_space<vmem>>) semaphore(%arg13 : memref<!tpu.dma_semaphore, #tpu.memory_space<semaphore_mem>>)
    %dma_wait3A_42 = arith.constant 0 : i32
    %dma_wait3A_43 = arith.constant 0 : i32
    %dma_wait3A_44 = tpu.memref_slice %arg2[%dma_wait3A_42, %dma_wait3A_43] : memref<10000x64xbf16, #tpu.memory_space<hbm>> -> memref<80x64xbf16, #tpu.memory_space<hbm>>
    %dma_wait3A_45 = arith.constant 0 : i32
    %dma_wait3A_46 = arith.constant 0 : i32
    %dma_wait3A_47 = tpu.memref_slice %arg2[%dma_wait3A_45, %dma_wait3A_46] : memref<10000x64xbf16, #tpu.memory_space<hbm>> -> memref<80x64xbf16, #tpu.memory_space<hbm>>
    tpu.wait_dma2 semaphore(%arg13 : memref<!tpu.dma_semaphore, #tpu.memory_space<semaphore_mem>>) src(%dma_wait3A_47 : memref<80x64xbf16, #tpu.memory_space<hbm>>) dst(%arg8 : memref<80x64xbf16, #tpu.memory_space<vmem>>)
    %dma_start3A_48 = arith.constant 9920 : i32
    %dma_start3A_49 = tpu.memref_slice %arg7[%dma_start3A_48] : memref<10000xi32, #tpu.memory_space<vmem>> -> memref<80xi32, #tpu.memory_space<vmem>>
    %dma_start3A_50 = arith.constant 0 : i32
    %dma_start3A_51 = arith.constant 0 : i32
    %dma_start3A_52 = tpu.memref_slice %arg12[%dma_start3A_50, %dma_start3A_51] : memref<10000x64xbf16, #tpu.memory_space<vmem_shared>> -> memref<10000x64xbf16, #tpu.memory_space<vmem_shared>>
    tpu.enqueue_indirect_dma source(%arg8 : memref<80x64xbf16, #tpu.memory_space<vmem>>) target(%dma_start3A_52 : memref<10000x64xbf16, #tpu.memory_space<vmem_shared>>) offsets(%dma_start3A_49 : memref<80xi32, #tpu.memory_space<vmem>>) semaphore(%arg17 : memref<!tpu.dma_semaphore, #tpu.memory_space<semaphore_mem>>) {add = true}
    %dma_wait3A_53 = arith.constant 0 : i32
    %dma_wait3A_54 = tpu.memref_slice %arg7[%dma_wait3A_53] : memref<10000xi32, #tpu.memory_space<vmem>> -> memref<80xi32, #tpu.memory_space<vmem>>
    %dma_wait3A_55 = arith.constant 0 : i32
    %dma_wait3A_56 = arith.constant 0 : i32
    %dma_wait3A_57 = tpu.memref_slice %arg12[%dma_wait3A_55, %dma_wait3A_56] : memref<10000x64xbf16, #tpu.memory_space<vmem_shared>> -> memref<10000x64xbf16, #tpu.memory_space<vmem_shared>>
    tpu.wait_indirect_dma semaphore(%arg17 : memref<!tpu.dma_semaphore, #tpu.memory_space<semaphore_mem>>) src(%arg8 : memref<80x64xbf16, #tpu.memory_space<vmem>>) dst(%dma_wait3A_57 : memref<10000x64xbf16, #tpu.memory_space<vmem_shared>>)
    %dma_wait3A_58 = arith.constant 0 : i32
    %dma_wait3A_59 = tpu.memref_slice %arg7[%dma_wait3A_58] : memref<10000xi32, #tpu.memory_space<vmem>> -> memref<80xi32, #tpu.memory_space<vmem>>
    %dma_wait3A_60 = arith.constant 0 : i32
    %dma_wait3A_61 = arith.constant 0 : i32
    %dma_wait3A_62 = tpu.memref_slice %arg12[%dma_wait3A_60, %dma_wait3A_61] : memref<10000x64xbf16, #tpu.memory_space<vmem_shared>> -> memref<10000x64xbf16, #tpu.memory_space<vmem_shared>>
    tpu.wait_indirect_dma semaphore(%arg18 : memref<!tpu.dma_semaphore, #tpu.memory_space<semaphore_mem>>) src(%arg9 : memref<80x64xbf16, #tpu.memory_space<vmem>>) dst(%dma_wait3A_62 : memref<10000x64xbf16, #tpu.memory_space<vmem_shared>>)
    %dma_wait3A_63 = arith.constant 0 : i32
    %dma_wait3A_64 = tpu.memref_slice %arg7[%dma_wait3A_63] : memref<10000xi32, #tpu.memory_space<vmem>> -> memref<80xi32, #tpu.memory_space<vmem>>
    %dma_wait3A_65 = arith.constant 0 : i32
    %dma_wait3A_66 = arith.constant 0 : i32
    %dma_wait3A_67 = tpu.memref_slice %arg12[%dma_wait3A_65, %dma_wait3A_66] : memref<10000x64xbf16, #tpu.memory_space<vmem_shared>> -> memref<10000x64xbf16, #tpu.memory_space<vmem_shared>>
    tpu.wait_indirect_dma semaphore(%arg19 : memref<!tpu.dma_semaphore, #tpu.memory_space<semaphore_mem>>) src(%arg10 : memref<80x64xbf16, #tpu.memory_space<vmem>>) dst(%dma_wait3A_67 : memref<10000x64xbf16, #tpu.memory_space<vmem_shared>>)
    %dma_wait3A_68 = arith.constant 0 : i32
    %dma_wait3A_69 = tpu.memref_slice %arg7[%dma_wait3A_68] : memref<10000xi32, #tpu.memory_space<vmem>> -> memref<80xi32, #tpu.memory_space<vmem>>
    %dma_wait3A_70 = arith.constant 0 : i32
    %dma_wait3A_71 = arith.constant 0 : i32
    %dma_wait3A_72 = tpu.memref_slice %arg12[%dma_wait3A_70, %dma_wait3A_71] : memref<10000x64xbf16, #tpu.memory_space<vmem_shared>> -> memref<10000x64xbf16, #tpu.memory_space<vmem_shared>>
    tpu.wait_indirect_dma semaphore(%arg20 : memref<!tpu.dma_semaphore, #tpu.memory_space<semaphore_mem>>) src(%arg11 : memref<80x64xbf16, #tpu.memory_space<vmem>>) dst(%dma_wait3A_72 : memref<10000x64xbf16, #tpu.memory_space<vmem_shared>>)
    %barrier3A_73 = arith.constant 0 : index
    tpu.barrier barrier_id(%barrier3A_73)
    %mul3A_74 = arith.constant 624 : i32
    %mul3A_75 = arith.muli %arg1, %mul3A_74 : i32
    "tpu.region"() ({
      %run_scoped3A_81 = tpu.sem_alloc : memref<!tpu.dma_semaphore, #tpu.memory_space<semaphore_mem>>
      %dma_start3A_82 = arith.constant 0 : i32
      %dma_start3A_83 = tpu.memref_slice %arg5[%arg0, %mul3A_75, %dma_start3A_82] : memref<2x10000x64xbf16, #tpu.memory_space<hbm>> -> memref<1x624x64xbf16, #tpu.memory_space<hbm>>
      %dma_start3A_84 = tpu.memref_squeeze %dma_start3A_83 : memref<1x624x64xbf16, #tpu.memory_space<hbm>> -> memref<624x64xbf16, #tpu.memory_space<hbm>>
      %dma_start3A_85 = arith.constant 0 : i32
      %dma_start3A_86 = tpu.memref_slice %arg12[%mul3A_75, %dma_start3A_85] : memref<10000x64xbf16, #tpu.memory_space<vmem_shared>> -> memref<624x64xbf16, #tpu.memory_space<vmem_shared>>
      tpu.enqueue_dma source(%dma_start3A_86 : memref<624x64xbf16, #tpu.memory_space<vmem_shared>>) target(%dma_start3A_84 : memref<624x64xbf16, #tpu.memory_space<hbm>>) target_semaphore(%run_scoped3A_81 : memref<!tpu.dma_semaphore, #tpu.memory_space<semaphore_mem>>)
      %dma_wait3A_87 = arith.constant 0 : i32
      %dma_wait3A_88 = tpu.memref_slice %arg5[%arg0, %mul3A_75, %dma_wait3A_87] : memref<2x10000x64xbf16, #tpu.memory_space<hbm>> -> memref<1x624x64xbf16, #tpu.memory_space<hbm>>
      %dma_wait3A_89 = tpu.memref_squeeze %dma_wait3A_88 : memref<1x624x64xbf16, #tpu.memory_space<hbm>> -> memref<624x64xbf16, #tpu.memory_space<hbm>>
      %dma_wait3A_90 = arith.constant 0 : i32
      %dma_wait3A_91 = tpu.memref_slice %arg12[%mul3A_75, %dma_wait3A_90] : memref<10000x64xbf16, #tpu.memory_space<vmem_shared>> -> memref<624x64xbf16, #tpu.memory_space<vmem_shared>>
      tpu.wait_dma2 semaphore(%run_scoped3A_81 : memref<!tpu.dma_semaphore, #tpu.memory_space<semaphore_mem>>) src(%dma_wait3A_91 : memref<624x64xbf16, #tpu.memory_space<vmem_shared>>) dst(%dma_wait3A_89 : memref<624x64xbf16, #tpu.memory_space<hbm>>)
      tpu.yield
    }) : () -> ()
    %eq3A_76 = arith.constant 0 : i32
    %eq3A_77 = arith.cmpi eq, %arg1, %eq3A_76 : i32
    %convert_element_type3A_78 = arith.extui %eq3A_77 : i1 to i32
    %cond3A_79 = arith.constant 0 : i32
    %cond3A_80 = arith.cmpi ne, %convert_element_type3A_78, %cond3A_79 : i32
    scf.if %cond3A_80 {
      "tpu.region"() ({
        %run_scoped3A_81 = tpu.sem_alloc : memref<!tpu.dma_semaphore, #tpu.memory_space<semaphore_mem>>
        %dma_start3A_82 = arith.constant 9984 : i32
        %dma_start3A_83 = arith.constant 0 : i32
        %dma_start3A_84 = tpu.memref_slice %arg5[%arg0, %dma_start3A_82, %dma_start3A_83] : memref<2x10000x64xbf16, #tpu.memory_space<hbm>> -> memref<1x16x64xbf16, #tpu.memory_space<hbm>>
        %dma_start3A_85 = tpu.memref_squeeze %dma_start3A_84 : memref<1x16x64xbf16, #tpu.memory_space<hbm>> -> memref<16x64xbf16, #tpu.memory_space<hbm>>
        %dma_start3A_86 = arith.constant 9984 : i32
        %dma_start3A_87 = arith.constant 0 : i32
        %dma_start3A_88 = tpu.memref_slice %arg12[%dma_start3A_86, %dma_start3A_87] : memref<10000x64xbf16, #tpu.memory_space<vmem_shared>> -> memref<16x64xbf16, #tpu.memory_space<vmem_shared>>
        tpu.enqueue_dma source(%dma_start3A_88 : memref<16x64xbf16, #tpu.memory_space<vmem_shared>>) target(%dma_start3A_85 : memref<16x64xbf16, #tpu.memory_space<hbm>>) target_semaphore(%run_scoped3A_81 : memref<!tpu.dma_semaphore, #tpu.memory_space<semaphore_mem>>)
        %dma_wait3A_89 = arith.constant 9984 : i32
        %dma_wait3A_90 = arith.constant 0 : i32
        %dma_wait3A_91 = tpu.memref_slice %arg5[%arg0, %dma_wait3A_89, %dma_wait3A_90] : memref<2x10000x64xbf16, #tpu.memory_space<hbm>> -> memref<1x16x64xbf16, #tpu.memory_space<hbm>>
        %dma_wait3A_92 = tpu.memref_squeeze %dma_wait3A_91 : memref<1x16x64xbf16, #tpu.memory_space<hbm>> -> memref<16x64xbf16, #tpu.memory_space<hbm>>
        %dma_wait3A_93 = arith.constant 9984 : i32
        %dma_wait3A_94 = arith.constant 0 : i32
        %dma_wait3A_95 = tpu.memref_slice %arg12[%dma_wait3A_93, %dma_wait3A_94] : memref<10000x64xbf16, #tpu.memory_space<vmem_shared>> -> memref<16x64xbf16, #tpu.memory_space<vmem_shared>>
        tpu.wait_dma2 semaphore(%run_scoped3A_81 : memref<!tpu.dma_semaphore, #tpu.memory_space<semaphore_mem>>) src(%dma_wait3A_95 : memref<16x64xbf16, #tpu.memory_space<vmem_shared>>) dst(%dma_wait3A_92 : memref<16x64xbf16, #tpu.memory_space<hbm>>)
        tpu.yield
      }) : () -> ()
    } else {
    }
    return
  }
}

module attributes {stable_mosaic.version = 14 : i64} {
  func.func @_mm_scale_body(%arg0: i32, %arg1: memref<2000x128xf32, #tpu.memory_space<vmem>>, %arg2: memref<128x128xf32, #tpu.memory_space<vmem>>, %arg3: memref<2x2000x16xf32, #tpu.memory_space<vmem>>, %arg4: memref<2000x128xbf16, #tpu.memory_space<vmem>>) attributes {dimension_semantics = [#tpu.dimension_semantics<arbitrary>], iteration_bounds = array<i64: 5>, scalar_prefetch = 0 : i64, scratch_operands = 0 : i64, tpu.core_type = #tpu.core_type<tc>, window_params = [{transform_indices = @transform_0, window_bounds = array<i64: 2000, 128>}, {pipeline_mode = #tpu.pipeline_mode<synchronous>, transform_indices = @transform_1, window_bounds = array<i64: 128, 128>}, {transform_indices = @transform_2, window_bounds = array<i64: 2, 2000, 16>}, {transform_indices = @transform_3, window_bounds = array<i64: 2000, 128>}]} {
    %get3A = arith.constant 0 : index
    %get3A_0 = arith.constant 0 : index
    %get3A_1 = vector.load %arg1[%get3A, %get3A_0] : memref<2000x128xf32, #tpu.memory_space<vmem>>, vector<2000x128xf32>
    %get3A_2 = arith.constant 0 : index
    %get3A_3 = arith.constant 0 : index
    %get3A_4 = vector.load %arg2[%get3A_2, %get3A_3] : memref<128x128xf32, #tpu.memory_space<vmem>>, vector<128x128xf32>
    %dot_general3A = arith.constant dense<0.000000e+00> : vector<2000x128xf32>
    %dot_general3A_5 = tpu.matmul %get3A_1, %get3A_4, %dot_general3A {dimension_numbers = #tpu.dot_dimension_numbers<[1], [0], [0], [1], [0, 0, 1, 1], [], []>, transpose_lhs_hint = false} : vector<2000x128xf32>, vector<128x128xf32>, vector<2000x128xf32> -> vector<2000x128xf32>
    %get3A_6 = arith.constant 0 : index
    %get3A_7 = arith.constant 0 : index
    %get3A_8 = arith.constant 0 : index
    %get3A_9 = vector.load %arg3[%get3A_6, %get3A_7, %get3A_8] : memref<2x2000x16xf32, #tpu.memory_space<vmem>>, vector<2x2000x16xf32>
    %slice3A = vector.extract_strided_slice %get3A_9 {offsets = [0, 0, 0], sizes = [1, 2000, 1], strides = [1, 1, 1]} : vector<2x2000x16xf32> to vector<1x2000x1xf32>
    %squeeze3A = vector.shape_cast %slice3A : vector<1x2000x1xf32> to vector<2000x1xf32>
    %slice3A_10 = vector.extract_strided_slice %get3A_9 {offsets = [1, 0, 0], sizes = [1, 2000, 1], strides = [1, 1, 1]} : vector<2x2000x16xf32> to vector<1x2000x1xf32>
    %squeeze3A_11 = vector.shape_cast %slice3A_10 : vector<1x2000x1xf32> to vector<2000x1xf32>
    %add3A = arith.addf %squeeze3A, %squeeze3A_11 : vector<2000x1xf32>
    %add3A_12 = arith.constant 1.000000e+00 : f32
    %add3A_13 = vector.broadcast %add3A_12 : f32 to vector<2000x1xf32>
    %add3A_14 = arith.addf %add3A, %add3A_13 : vector<2000x1xf32>
    %rsqrt3A = math.rsqrt %add3A_14 : vector<2000x1xf32>
    %mul3A = vector.broadcast %rsqrt3A : vector<2000x1xf32> to vector<2000x128xf32>
    %mul3A_15 = arith.mulf %dot_general3A_5, %mul3A : vector<2000x128xf32>
    %convert_element_type3A = arith.truncf %mul3A_15 : vector<2000x128xf32> to vector<2000x128xbf16>
    %swap3A = arith.constant 0 : index
    %swap3A_16 = arith.constant 0 : index
    %swap3A_17 = vector.load %arg4[%swap3A, %swap3A_16] : memref<2000x128xbf16, #tpu.memory_space<vmem>>, vector<2000x128xbf16>
    tpu.vector_store %arg4[%swap3A, %swap3A_16], %convert_element_type3A {strides = array<i32>} : memref<2000x128xbf16, #tpu.memory_space<vmem>>, vector<2000x128xbf16>,
    return
  }
  func.func @transform_0(%arg0: i32) -> (i32, i32) {
    %c0_i32 = arith.constant 0 : i32
    %c0_i32_0 = arith.constant 0 : i32
    return %arg0, %c0_i32 : i32, i32
  }
  func.func @transform_1(%arg0: i32) -> (i32, i32) {
    %c0_i32 = arith.constant 0 : i32
    %c0_i32_0 = arith.constant 0 : i32
    %c0_i32_1 = arith.constant 0 : i32
    return %c0_i32, %c0_i32_0 : i32, i32
  }
  func.func @transform_2(%arg0: i32) -> (i32, i32, i32) {
    %c0_i32 = arith.constant 0 : i32
    %c0_i32_0 = arith.constant 0 : i32
    %c0_i32_1 = arith.constant 0 : i32
    return %c0_i32, %arg0, %c0_i32_0 : i32, i32, i32
  }
  func.func @transform_3(%arg0: i32) -> (i32, i32) {
    %c0_i32 = arith.constant 0 : i32
    %c0_i32_0 = arith.constant 0 : i32
    return %arg0, %c0_i32 : i32, i32
  }
}

module attributes {stable_mosaic.version = 14 : i64} {
  func.func @_layer2_body(%arg0: i32, %arg1: memref<2000x128xbf16, #tpu.memory_space<vmem>>, %arg2: memref<2x2000x128xbf16, #tpu.memory_space<vmem>>, %arg3: memref<2x2000x16xf32, #tpu.memory_space<vmem>>, %arg4: memref<1x128xf32, #tpu.memory_space<vmem>>, %arg5: memref<128x64xf32, #tpu.memory_space<vmem>>, %arg6: memref<2000x64xbf16, #tpu.memory_space<vmem>>) attributes {dimension_semantics = [#tpu.dimension_semantics<arbitrary>], iteration_bounds = array<i64: 5>, scalar_prefetch = 0 : i64, scratch_operands = 0 : i64, tpu.core_type = #tpu.core_type<tc>, window_params = [{transform_indices = @transform_0, window_bounds = array<i64: 2000, 128>}, {transform_indices = @transform_1, window_bounds = array<i64: 2, 2000, 128>}, {transform_indices = @transform_2, window_bounds = array<i64: 2, 2000, 16>}, {pipeline_mode = #tpu.pipeline_mode<synchronous>, transform_indices = @transform_3, window_bounds = array<i64: 1, 128>}, {pipeline_mode = #tpu.pipeline_mode<synchronous>, transform_indices = @transform_4, window_bounds = array<i64: 128, 64>}, {transform_indices = @transform_5, window_bounds = array<i64: 2000, 64>}]} {
    %get3A = arith.constant 0 : index
    %get3A_0 = arith.constant 0 : index
    %get3A_1 = arith.constant 0 : index
    %get3A_2 = vector.load %arg3[%get3A, %get3A_0, %get3A_1] : memref<2x2000x16xf32, #tpu.memory_space<vmem>>, vector<2x2000x16xf32>
    %slice3A = vector.extract_strided_slice %get3A_2 {offsets = [0, 0, 0], sizes = [1, 2000, 1], strides = [1, 1, 1]} : vector<2x2000x16xf32> to vector<1x2000x1xf32>
    %squeeze3A = vector.shape_cast %slice3A : vector<1x2000x1xf32> to vector<2000x1xf32>
    %slice3A_3 = vector.extract_strided_slice %get3A_2 {offsets = [1, 0, 0], sizes = [1, 2000, 1], strides = [1, 1, 1]} : vector<2x2000x16xf32> to vector<1x2000x1xf32>
    %squeeze3A_4 = vector.shape_cast %slice3A_3 : vector<1x2000x1xf32> to vector<2000x1xf32>
    %add3A = arith.addf %squeeze3A, %squeeze3A_4 : vector<2000x1xf32>
    %add3A_5 = arith.constant 1.000000e+00 : f32
    %add3A_6 = vector.broadcast %add3A_5 : f32 to vector<2000x1xf32>
    %add3A_7 = arith.addf %add3A, %add3A_6 : vector<2000x1xf32>
    %rsqrt3A = math.rsqrt %add3A_7 : vector<2000x1xf32>
    %get3A_8 = arith.constant 0 : index
    %get3A_9 = arith.constant 0 : index
    %get3A_10 = vector.load %arg1[%get3A_8, %get3A_9] : memref<2000x128xbf16, #tpu.memory_space<vmem>>, vector<2000x128xbf16>
    %convert_element_type3A = arith.extf %get3A_10 : vector<2000x128xbf16> to vector<2000x128xf32>
    %get3A_11 = arith.constant 0 : index
    %get3A_12 = arith.constant 0 : index
    %get3A_13 = arith.constant 0 : index
    %get3A_14 = vector.load %arg2[%get3A_11, %get3A_12, %get3A_13] : memref<2x2000x128xbf16, #tpu.memory_space<vmem>>, vector<1x2000x128xbf16>
    %get3A_15 = vector.shape_cast %get3A_14 : vector<1x2000x128xbf16> to vector<2000x128xbf16>
    %convert_element_type3A_16 = arith.extf %get3A_15 : vector<2000x128xbf16> to vector<2000x128xf32>
    %add3A_17 = arith.addf %convert_element_type3A, %convert_element_type3A_16 : vector<2000x128xf32>
    %get3A_18 = arith.constant 1 : index
    %get3A_19 = arith.constant 0 : index
    %get3A_20 = arith.constant 0 : index
    %get3A_21 = vector.load %arg2[%get3A_18, %get3A_19, %get3A_20] : memref<2x2000x128xbf16, #tpu.memory_space<vmem>>, vector<1x2000x128xbf16>
    %get3A_22 = vector.shape_cast %get3A_21 : vector<1x2000x128xbf16> to vector<2000x128xbf16>
    %convert_element_type3A_23 = arith.extf %get3A_22 : vector<2000x128xbf16> to vector<2000x128xf32>
    %add3A_24 = arith.addf %add3A_17, %convert_element_type3A_23 : vector<2000x128xf32>
    %mul3A = vector.broadcast %rsqrt3A : vector<2000x1xf32> to vector<2000x128xf32>
    %mul3A_25 = arith.mulf %add3A_24, %mul3A : vector<2000x128xf32>
    %get3A_26 = arith.constant 0 : index
    %get3A_27 = arith.constant 0 : index
    %get3A_28 = vector.load %arg4[%get3A_26, %get3A_27] : memref<1x128xf32, #tpu.memory_space<vmem>>, vector<1x128xf32>
    %add3A_29 = vector.broadcast %get3A_28 : vector<1x128xf32> to vector<2000x128xf32>
    %add3A_30 = arith.addf %mul3A_25, %add3A_29 : vector<2000x128xf32>
    %max3A = arith.constant 0.000000e+00 : f32
    %max3A_31 = vector.broadcast %max3A : f32 to vector<2000x128xf32>
    %max3A_32 = arith.maximumf %add3A_30, %max3A_31 : vector<2000x128xf32>
    %get3A_33 = arith.constant 0 : index
    %get3A_34 = arith.constant 0 : index
    %get3A_35 = vector.load %arg5[%get3A_33, %get3A_34] : memref<128x64xf32, #tpu.memory_space<vmem>>, vector<128x64xf32>
    %dot_general3A = arith.constant dense<0.000000e+00> : vector<2000x64xf32>
    %dot_general3A_36 = tpu.matmul %max3A_32, %get3A_35, %dot_general3A {dimension_numbers = #tpu.dot_dimension_numbers<[1], [0], [0], [1], [0, 0, 1, 1], [], []>, transpose_lhs_hint = false} : vector<2000x128xf32>, vector<128x64xf32>, vector<2000x64xf32> -> vector<2000x64xf32>
    %mul3A_37 = vector.broadcast %rsqrt3A : vector<2000x1xf32> to vector<2000x64xf32>
    %mul3A_38 = arith.mulf %dot_general3A_36, %mul3A_37 : vector<2000x64xf32>
    %convert_element_type3A_39 = arith.truncf %mul3A_38 : vector<2000x64xf32> to vector<2000x64xbf16>
    %swap3A = arith.constant 0 : index
    %swap3A_40 = arith.constant 0 : index
    %swap3A_41 = vector.load %arg6[%swap3A, %swap3A_40] : memref<2000x64xbf16, #tpu.memory_space<vmem>>, vector<2000x64xbf16>
    tpu.vector_store %arg6[%swap3A, %swap3A_40], %convert_element_type3A_39 {strides = array<i32>} : memref<2000x64xbf16, #tpu.memory_space<vmem>>, vector<2000x64xbf16>,
    return
  }
  func.func @transform_0(%arg0: i32) -> (i32, i32) {
    %c0_i32 = arith.constant 0 : i32
    %c0_i32_0 = arith.constant 0 : i32
    return %arg0, %c0_i32 : i32, i32
  }
  func.func @transform_1(%arg0: i32) -> (i32, i32, i32) {
    %c0_i32 = arith.constant 0 : i32
    %c0_i32_0 = arith.constant 0 : i32
    %c0_i32_1 = arith.constant 0 : i32
    return %c0_i32, %arg0, %c0_i32_0 : i32, i32, i32
  }
  func.func @transform_2(%arg0: i32) -> (i32, i32, i32) {
    %c0_i32 = arith.constant 0 : i32
    %c0_i32_0 = arith.constant 0 : i32
    %c0_i32_1 = arith.constant 0 : i32
    return %c0_i32, %arg0, %c0_i32_0 : i32, i32, i32
  }
  func.func @transform_3(%arg0: i32) -> (i32, i32) {
    %c0_i32 = arith.constant 0 : i32
    %c0_i32_0 = arith.constant 0 : i32
    %c0_i32_1 = arith.constant 0 : i32
    return %c0_i32, %c0_i32_0 : i32, i32
  }
  func.func @transform_4(%arg0: i32) -> (i32, i32) {
    %c0_i32 = arith.constant 0 : i32
    %c0_i32_0 = arith.constant 0 : i32
    %c0_i32_1 = arith.constant 0 : i32
    return %c0_i32, %c0_i32_0 : i32, i32
  }
  func.func @transform_5(%arg0: i32) -> (i32, i32) {
    %c0_i32 = arith.constant 0 : i32
    %c0_i32_0 = arith.constant 0 : i32
    return %arg0, %c0_i32 : i32, i32
  }
}

module attributes {stable_mosaic.version = 14 : i64} {
  func.func @_final_body(%arg0: i32, %arg1: memref<2000x64xbf16, #tpu.memory_space<vmem>>, %arg2: memref<2x2000x64xbf16, #tpu.memory_space<vmem>>, %arg3: memref<2x2000x16xf32, #tpu.memory_space<vmem>>, %arg4: memref<1x64xf32, #tpu.memory_space<vmem>>, %arg5: memref<2000x64xf32, #tpu.memory_space<vmem>>) attributes {dimension_semantics = [#tpu.dimension_semantics<arbitrary>], iteration_bounds = array<i64: 5>, scalar_prefetch = 0 : i64, scratch_operands = 0 : i64, tpu.core_type = #tpu.core_type<tc>, window_params = [{transform_indices = @transform_0, window_bounds = array<i64: 2000, 64>}, {transform_indices = @transform_1, window_bounds = array<i64: 2, 2000, 64>}, {transform_indices = @transform_2, window_bounds = array<i64: 2, 2000, 16>}, {pipeline_mode = #tpu.pipeline_mode<synchronous>, transform_indices = @transform_3, window_bounds = array<i64: 1, 64>}, {transform_indices = @transform_4, window_bounds = array<i64: 2000, 64>}]} {
    %get3A = arith.constant 0 : index
    %get3A_0 = arith.constant 0 : index
    %get3A_1 = arith.constant 0 : index
    %get3A_2 = vector.load %arg3[%get3A, %get3A_0, %get3A_1] : memref<2x2000x16xf32, #tpu.memory_space<vmem>>, vector<2x2000x16xf32>
    %slice3A = vector.extract_strided_slice %get3A_2 {offsets = [0, 0, 0], sizes = [1, 2000, 1], strides = [1, 1, 1]} : vector<2x2000x16xf32> to vector<1x2000x1xf32>
    %squeeze3A = vector.shape_cast %slice3A : vector<1x2000x1xf32> to vector<2000x1xf32>
    %slice3A_3 = vector.extract_strided_slice %get3A_2 {offsets = [1, 0, 0], sizes = [1, 2000, 1], strides = [1, 1, 1]} : vector<2x2000x16xf32> to vector<1x2000x1xf32>
    %squeeze3A_4 = vector.shape_cast %slice3A_3 : vector<1x2000x1xf32> to vector<2000x1xf32>
    %add3A = arith.addf %squeeze3A, %squeeze3A_4 : vector<2000x1xf32>
    %add3A_5 = arith.constant 1.000000e+00 : f32
    %add3A_6 = vector.broadcast %add3A_5 : f32 to vector<2000x1xf32>
    %add3A_7 = arith.addf %add3A, %add3A_6 : vector<2000x1xf32>
    %rsqrt3A = math.rsqrt %add3A_7 : vector<2000x1xf32>
    %get3A_8 = arith.constant 0 : index
    %get3A_9 = arith.constant 0 : index
    %get3A_10 = vector.load %arg1[%get3A_8, %get3A_9] : memref<2000x64xbf16, #tpu.memory_space<vmem>>, vector<2000x64xbf16>
    %convert_element_type3A = arith.extf %get3A_10 : vector<2000x64xbf16> to vector<2000x64xf32>
    %get3A_11 = arith.constant 0 : index
    %get3A_12 = arith.constant 0 : index
    %get3A_13 = arith.constant 0 : index
    %get3A_14 = vector.load %arg2[%get3A_11, %get3A_12, %get3A_13] : memref<2x2000x64xbf16, #tpu.memory_space<vmem>>, vector<1x2000x64xbf16>
    %get3A_15 = vector.shape_cast %get3A_14 : vector<1x2000x64xbf16> to vector<2000x64xbf16>
    %convert_element_type3A_16 = arith.extf %get3A_15 : vector<2000x64xbf16> to vector<2000x64xf32>
    %add3A_17 = arith.addf %convert_element_type3A, %convert_element_type3A_16 : vector<2000x64xf32>
    %get3A_18 = arith.constant 1 : index
    %get3A_19 = arith.constant 0 : index
    %get3A_20 = arith.constant 0 : index
    %get3A_21 = vector.load %arg2[%get3A_18, %get3A_19, %get3A_20] : memref<2x2000x64xbf16, #tpu.memory_space<vmem>>, vector<1x2000x64xbf16>
    %get3A_22 = vector.shape_cast %get3A_21 : vector<1x2000x64xbf16> to vector<2000x64xbf16>
    %convert_element_type3A_23 = arith.extf %get3A_22 : vector<2000x64xbf16> to vector<2000x64xf32>
    %add3A_24 = arith.addf %add3A_17, %convert_element_type3A_23 : vector<2000x64xf32>
    %mul3A = vector.broadcast %rsqrt3A : vector<2000x1xf32> to vector<2000x64xf32>
    %mul3A_25 = arith.mulf %add3A_24, %mul3A : vector<2000x64xf32>
    %get3A_26 = arith.constant 0 : index
    %get3A_27 = arith.constant 0 : index
    %get3A_28 = vector.load %arg4[%get3A_26, %get3A_27] : memref<1x64xf32, #tpu.memory_space<vmem>>, vector<1x64xf32>
    %add3A_29 = vector.broadcast %get3A_28 : vector<1x64xf32> to vector<2000x64xf32>
    %add3A_30 = arith.addf %mul3A_25, %add3A_29 : vector<2000x64xf32>
    %reduce_max3A = arith.constant dense<0xFF800000> : vector<2000xf32>
    %reduce_max3A_31 = vector.multi_reduction <maximumf>, %add3A_30, %reduce_max3A [1] : vector<2000x64xf32> to vector<2000xf32>
    %broadcast_in_dim3A = vector.shape_cast %reduce_max3A_31 : vector<2000xf32> to vector<2000x1xf32>
    %sub3A = vector.broadcast %broadcast_in_dim3A : vector<2000x1xf32> to vector<2000x64xf32>
    %sub3A_32 = arith.subf %add3A_30, %sub3A : vector<2000x64xf32>
    %exp3A = math.exp %sub3A_32 : vector<2000x64xf32>
    %reduce_sum3A = arith.constant dense<0.000000e+00> : vector<2000xf32>
    %reduce_sum3A_33 = vector.multi_reduction <add>, %exp3A, %reduce_sum3A [1] : vector<2000x64xf32> to vector<2000xf32>
    %broadcast_in_dim3A_34 = vector.shape_cast %reduce_sum3A_33 : vector<2000xf32> to vector<2000x1xf32>
    %log3A = math.log %broadcast_in_dim3A_34 : vector<2000x1xf32>
    %sub3A_35 = vector.broadcast %log3A : vector<2000x1xf32> to vector<2000x64xf32>
    %sub3A_36 = arith.subf %sub3A_32, %sub3A_35 : vector<2000x64xf32>
    %swap3A = arith.constant 0 : index
    %swap3A_37 = arith.constant 0 : index
    %swap3A_38 = vector.load %arg5[%swap3A, %swap3A_37] : memref<2000x64xf32, #tpu.memory_space<vmem>>, vector<2000x64xf32>
    tpu.vector_store %arg5[%swap3A, %swap3A_37], %sub3A_36 {strides = array<i32>} : memref<2000x64xf32, #tpu.memory_space<vmem>>, vector<2000x64xf32>,
    return
  }
  func.func @transform_0(%arg0: i32) -> (i32, i32) {
    %c0_i32 = arith.constant 0 : i32
    %c0_i32_0 = arith.constant 0 : i32
    return %arg0, %c0_i32 : i32, i32
  }
  func.func @transform_1(%arg0: i32) -> (i32, i32, i32) {
    %c0_i32 = arith.constant 0 : i32
    %c0_i32_0 = arith.constant 0 : i32
    %c0_i32_1 = arith.constant 0 : i32
    return %c0_i32, %arg0, %c0_i32_0 : i32, i32, i32
  }
  func.func @transform_2(%arg0: i32) -> (i32, i32, i32) {
    %c0_i32 = arith.constant 0 : i32
    %c0_i32_0 = arith.constant 0 : i32
    %c0_i32_1 = arith.constant 0 : i32
    return %c0_i32, %arg0, %c0_i32_0 : i32, i32, i32
  }
  func.func @transform_3(%arg0: i32) -> (i32, i32) {
    %c0_i32 = arith.constant 0 : i32
    %c0_i32_0 = arith.constant 0 : i32
    %c0_i32_1 = arith.constant 0 : i32
    return %c0_i32, %c0_i32_0 : i32, i32
  }
  func.func @transform_4(%arg0: i32) -> (i32, i32) {
    %c0_i32 = arith.constant 0 : i32
    %c0_i32_0 = arith.constant 0 : i32
    return %arg0, %c0_i32 : i32, i32
  }
}

</mosaic_0001>

<sc_bundles>
// kernel: kernel.11.cloned.1.call-start
scs
__scs_entry_jumppad:
0x0: {  	(pc) =	sbr.rel $0x88, $3  }
0x1: {  	(tag) =	ssettag $0x0;
	lr =	simm.s32 $0x1  }
0x2: {  	[smem:$0x3F9B] =	sst lr;
	_ =	strace $0xD0000000  }
0x3: {  	_ = 	snop  }
0x4: {  	_ = 	snop  }
0x5: {  	_ = 	snop  }
0x6: {  	_ = 	snop  }
0x7: {  	_ = 	snop  }
__scs_overlays_trampoline_lowered:
0x8: {  	[smem:$0x3FAA] =	sst s0  }
0x9: {  	[smem:$0x3FAB] =	sst s1  }
0xa: {  	[smem:$0x3FAC] =	sst s2  }
0xb: {  	[smem:$0x3FAD] =	sst s3  }
0xc: {  	[smem:$0x3FAE] =	sst s4  }
0xd: {  	[smem:$0x3FAF] =	sst s5  }
0xe: {  	[smem:$0x3FB0] =	sst s6  }
0xf: {  	[smem:$0x3FB1] =	sst s7  }
0x10: {  	[smem:$0x3FB2] =	sst s8  }
0x11: {  	[smem:$0x3FB3] =	sst s9;
	s0 =	simm.s32 @!p0 $0x0  }
0x12: {  	s1 =	sld [smem:$0x3F99];
	s0 =	simm.s32 @p0 $0x1  }
0x13: {  	[smem:$0x3FB4] =	sst s0;
	s0 =	simm.s32 @!p1 $0x0  }
0x14: {  	s2 =	sld [smem:$0x3F98];
	s0 =	simm.s32 @p1 $0x1  }
0x15: {  	[smem:$0x3FB5] =	sst s0;
	s0 =	simm.s32 @!p2 $0x0  }
0x16: {  	s3 =	sld [smem:$0x3FDB];
	s0 =	simm.s32 @p2 $0x1  }
0x17: {  	s4 =	simm.s32 $0x1BF5;
	[smem:$0x3FB7] =	sst s0  }
0x18: {  	s0 =	sld [smem:$0x3F9A];
	_ =	swait.ge [sflag:s4], $0x0  }
0x19: {  	s7 =	sld [smem:$0x3F9B]  }
0x1a: {  	s8 =	sadd.s32 $0xFFFFE003, lr  }
0x1b: {  	s9 =	sadd.s32 $0xFFFFFEF7, lr;
	s5 =	simm.s32 $0xFFFFFFFF;
	p2 =	slt.u32 s8, $0xFFFFF086  }
0x1c: {  	p1 =	slt.u32 s9, $0xF7A;
	s5 =	simm.s32 @!p2 $0x0  }
0x1d: {  	s5 =	simm.s32 @p1 $0x1;
	p0 =	seq.s32 s7, s2  }
0x1e: {  	s7 =	smul.u32 @!p0 $0xF7A, s2;
	p2 =	seq.s32 @!p0 s5, $0x0  }
0x1f: {  	s9 =	smul.u32 $0xF7A, s1;
	s8 =	simm.s32 @!p0 $0x1BF5;
	p2 =	por !p2, p0  }
0x20: {  	[sflag:s8] =	ssyncset.s32 @!p0 $0xFFFFF086;
	s6 =	sadd.s32 @!p0 s3, s7;
	s7 =	simm.s32 @!p0 $0x108  }
0x21: {  	s3 =	sadd.s32 s3, s9;
	s6 =	sadd.s32 @!p0 $0x88, s6;
	s7 =	simm.s32 @p2 $0x1082  }
0x22: {  	[simem:s7], [sflag:s8] =	dma.local @!p0 [hbm:s6], $0xF7A  }
0x23: {  	s9 =	sor.u32 $0xD0000000, s2;
	s6 =	simm.s32 $0x108;
	_ =	swait.ge @!p0 [sflag:s8], $0x0  }
0x24: {  	s3 =	sadd.s32 $0x88, s3;
	s6 =	simm.s32 @!p1 $0x1082;
	[sflag:s4] =	ssyncset.s32 $0xFFFFF086  }
0x25: {  	[simem:s6], [sflag:s4] =	dma.local [hbm:s3], $0xF7A  }
0x26: {  	[smem:$0x3F9B] =	sst s1;
	(tag) =	ssettag s2;
	_ =	strace s9  }
0x27: {  	s1 =	sld [smem:$0x3FAB]  }
0x28: {  	s2 =	sld [smem:$0x3FAC]  }
0x29: {  	s4 =	sld [smem:$0x3FAE]  }
0x2a: {  	p0 =	seq.s32 s5, $0x0;
	s5 =	sld [smem:$0x3FAF]  }
0x2b: {  	s6 =	sld [smem:$0x3FB0]  }
0x2c: {  	s7 =	sld [smem:$0x3FB1]  }
0x2d: {  	s3 =	simm.s32 $0x108;
	s8 =	sld [smem:$0x3FB2]  }
0x2e: {  	s3 =	simm.s32 @!p0 $0x1082;
	s9 =	sld [smem:$0x3FB3]  }
0x2f: {  	lr =	sadd.s32 s0, s3;
	s0 =	sld [smem:$0x3FAA]  }
0x30: {  	s3 =	sld [smem:$0x3FAD]  }
0x31: {  	[smem:$0x3FB6] =	sst s10  }
0x32: {  	s10 =	sld [smem:$0x3FB4];
	_ =	sdelay $0x3  }
0x33: {  	p0 =	seq.s32 s10, $0x1;
	s10 =	sld [smem:$0x3FB6];
	_ =	sdelay $0x3  }
0x34: {  	[smem:$0x3FB6] =	sst s10  }
0x35: {  	s10 =	sld [smem:$0x3FB5];
	_ =	sdelay $0x3  }
0x36: {  	p1 =	seq.s32 s10, $0x1;
	s10 =	sld [smem:$0x3FB6];
	_ =	sdelay $0x3  }
0x37: {  	[smem:$0x3FB6] =	sst s10  }
0x38: {  	s10 =	sld [smem:$0x3FB7]  }
0x39: {  	_ = 	snop;
	(pc) =	sbr.ind lr, $3  }
0x3a: {  	_ = 	snop  }
0x3b: {  	_ = 	snop  }
0x3c: {  	p2 =	seq.s32 s10, $0x1;
	s10 =	sld [smem:$0x3FB6]  }
0x3d: {  	_ =	shalt  }
0x3e: {  	_ =	shalt  }
0x3f: {  	_ =	shalt  }
0x40: {  	_ =	shalt  }
0x41: {  	_ =	shalt  }
0x42: {  	_ =	shalt  }
0x43: {  	_ =	shalt  }
0x44: {  	_ =	shalt  }
0x45: {  	_ =	shalt  }
0x46: {  	_ =	shalt  }
0x47: {  	_ =	shalt  }
0x48: {  	_ =	shalt  }
0x49: {  	_ =	shalt  }
0x4a: {  	_ =	shalt  }
0x4b: {  	_ =	shalt  }
0x4c: {  	_ =	shalt  }
0x4d: {  	_ =	shalt  }
0x4e: {  	_ =	shalt  }
0x4f: {  	_ =	shalt  }
0x50: {  	_ =	shalt  }
0x51: {  	_ =	shalt  }
0x52: {  	_ =	shalt  }
0x53: {  	_ =	shalt  }
0x54: {  	_ =	shalt  }
0x55: {  	_ =	shalt  }
0x56: {  	_ =	shalt  }
0x57: {  	_ =	shalt  }
0x58: {  	_ =	shalt  }
0x59: {  	_ =	shalt  }
0x5a: {  	_ =	shalt  }
0x5b: {  	_ =	shalt  }
0x5c: {  	_ =	shalt  }
0x5d: {  	_ =	shalt  }
0x5e: {  	_ =	shalt  }
0x5f: {  	_ =	shalt  }
0x60: {  	_ =	shalt  }
0x61: {  	_ =	shalt  }
0x62: {  	_ =	shalt  }
0x63: {  	_ =	shalt  }
0x64: {  	_ =	shalt  }
0x65: {  	_ =	shalt  }
0x66: {  	_ =	shalt  }
0x67: {  	_ =	shalt  }
0x68: {  	_ =	shalt  }
0x69: {  	_ =	shalt  }
0x6a: {  	_ =	shalt  }
0x6b: {  	_ =	shalt  }
0x6c: {  	_ =	shalt  }
0x6d: {  	_ =	shalt  }
0x6e: {  	_ =	shalt  }
0x6f: {  	_ =	shalt  }
0x70: {  	_ =	shalt  }
0x71: {  	_ =	shalt  }
0x72: {  	_ =	shalt  }
0x73: {  	_ =	shalt  }
0x74: {  	_ =	shalt  }
0x75: {  	_ =	shalt  }
0x76: {  	_ =	shalt  }
0x77: {  	_ =	shalt  }
0x78: {  	_ =	shalt  }
0x79: {  	_ =	shalt  }
0x7a: {  	_ =	shalt  }
0x7b: {  	_ =	shalt  }
0x7c: {  	_ =	shalt  }
0x7d: {  	_ =	shalt  }
0x7e: {  	_ =	shalt  }
0x7f: {  	_ =	shalt  }
0x80: {  	_ =	shalt  }
0x81: {  	_ =	shalt  }
0x82: {  	_ =	shalt  }
0x83: {  	_ =	shalt  }
0x84: {  	_ =	shalt  }
0x85: {  	_ =	shalt  }
0x86: {  	_ =	shalt  }
0x87: {  	_ =	shalt  }
.Lfunc_end0:
.L_simem_size_0:
called_computation.1_lowered:
.L_overlay_start_0:
0x88: {  	s2 =	sld [smem:$0x3FD9]  }
0x89: {  	s3 =	sld [smem:$0x3FFE];
	_ =	sdelay $0x1  }
0x8a: {  	s1 =	srdreg.scid  }
0x8b: {  	s0 =	sand.u32 $0x1, s1  }
0x8c: {  	s17 =	sshll.u32 s0, $0xA;
	s2 =	sadd.s32 s3, s2  }
0x8d: {  	s2 =	sadd.s32 s2, s17  }
0x8e: {  	[smem:$0x3FC2] =	sst s2  }
0x8f: {  	_ = 	snop  }
0x90: {  	s2 =	sld [smem:$0x3FD0];
	(tm) =	ssettm $0x1  }
0x91: {  	s18 =	sld [smem:$0x3FFB];
	_ =	sdelay $0x3  }
0x92: {  	_ =	strace s18  }
0x93: {  	s3 =	sld [smem:$0x3FFC];
	_ =	sdelay $0x3  }
0x94: {  	_ =	strace s3  }
0x95: {  	s3 =	sld [smem:$0x3FFD];
	_ =	sdelay $0x3  }
0x96: {  	_ =	strace s3  }
0x97: {  	_ =	strace $0x8FFFFFFF  }
0x98: {  	s19 =	sld [smem:$0x3FDB];
	_ =	sdelay $0x1  }
0x99: {  	s4 =	simm.s32 $_scs_section_size  }
0x9a: {  	s5 =	simm.s32 $_size__tile_overlayer_lowered;
	s6 =	simm.s32 $_tile_overlayer_lowered  }
0x9b: {  	s22 =	simm.s32 $0x1BFF;
	s21 =	sshll.u32 s6, $0x1;
	s3 =	sadd.s32 s4, s19  }
0x9c: {  	s7 =	simm.s32 $0x0;
	s20 =	sshll.u32 s5, $0x1;
	s5 =	sadd.s32 s21, s3  }
0x9d: {  	[timem:s7], [sflag:s22] =	dma.local [hbm:s5], s20  }
0x9e: {  	_ =	swait.ge [sflag:s22], s20  }
0x9f: {  	s4 =	ssub.s32 $0x0, s20;
	[sflag:s22] =	ssyncset.done $0x0  }
0xa0: {  	[sflag:s22] =	ssyncadd.s32 s4;
	_ =	sdelay $0x1  }
0xa1: {  	s23 =	simm.s32 $0x1B8B  }
0xa2: {  	_ =	swait.ge [sflag:s23], $0x1  }
0xa3: {  	[sflag:s23] =	ssyncset.done $0x0  }
0xa4: {  	s25 =	simm.s32 $0x1B8E;
	s24 =	sld [smem:$0x3FFE];
	[sflag:s23] =	ssyncadd.s32 $0xFFFFFFFF  }
0xa5: {  	s26 =	simm.s32 $execute0_lowered;
	[smem:$0x3FD2] =	sst s25  }
0xa6: {  	s5 =	sshll.u32 s26, $0x1;
	_ =	strace $0x80000049;
	[dreg:$0x1] =	wrdreg $0xFFFFFFFF  }
0xa7: {  	s28 =	simm.s32 $_size_execute0_lowered;
	s3 =	sadd.s32 s3, s5;
	[dreg:$0x0] =	wrdreg $0x0  }
0xa8: {  	s5 =	sshll.u32 s28, $0x1;
	[dreg:$0x2] =	wrdreg s3  }
0xa9: {  	[dreg:$0x3] =	wrdreg s5  }
0xaa: {  	[dreg:$0x4] =	wrdreg $0xC0  }
0xab: {  	_ =	task [dreg:s7], $0x5FFFF  }
0xac: {  	[dreg:$0x1] =	wrdreg $0xFFFFFFFF  }
0xad: {  	[dreg:$0x0] =	wrdreg $0x60  }
0xae: {  	[dreg:$0x2] =	wrdreg s24  }
0xaf: {  	[dreg:$0x3] =	wrdreg s2  }
0xb0: {  	[dreg:$0x4] =	wrdreg $0x9E200  }
0xb1: {  	[dreg:$0x5] =	wrdreg $0x9  }
0xb2: {  	_ =	task.clear_ibuf [dreg:s7], $0x6FFFF;
	_ =	strace $0x90000049  }
0xb3: {  	s29 =	simm.s32 $0x9;
	_ =	strace $0x8000004B  }
0xb4: {  	_ =	swait.ge [sflag:s29], $0x1  }
0xb5: {  	[sflag:s29] =	ssyncadd.s32 $0xFFFFFFFF  }
0xb6: {  	_ =	strace $0x9000004B  }
0xb7: {  	_ =	sfence  }
0xb8: {  	s30 =	sld [smem:$0x0];
	_ =	sdelay $0x2  }
0xb9: {  	s31 =	sshll.u32 s1, $0xD;
	s1 =	sshrl.u32 s1, $0x2  }
0xba: {  	s3 =	sand.u32 $0x4000, s31;
	s1 =	sadd.s32 s1, s30  }
0xbb: {  	s0 =	sor.u32 s3, s0;
	s1 =	sshll.u32 s1, $0x11  }
0xbc: {  	s0 =	sor.u32 s1, s0  }
0xbd: {  	s0 =	sadd.s32 $0x8F2B, s0  }
0xbe: {  	[sflag:s0] =	ssyncadd.remote.s32 $0x1  }
0xbf: {  	_ =	sfence.sel $0xFFFF  }
0xc0: {  	[dreg:$0x0] =	wrdreg $0xFFFFFFFF;
	(pc) =	sbr.abs _section_cstart, $3  }
0xc1: {  	[dreg:$0x1] =	wrdreg $0xFFFFFFFF  }
0xc2: {  	_ =	task.clear_ibuf [dreg:s7], $0x2FFFF;
	_ =	strace $0x9FFFFFFF  }
0xc3: {  	(tm) =	ssettm $0x7FFFFFFF  }
tec
execute0_lowered:
.L_overlay_start_1:
0x0: {  	(tag) =	ssettag $0x1  }
0x1: {  	s0 =	rddreg [dreg:$0x0]  }
0x2: {  	s4 =	rddreg [dreg:$0x1]  }
0x3: {  	s1 =	rddreg [dreg:$0x2];
	s2 =	simm.s32 $0x0;
	s11 =	stileid.u32  }
0x4: {  	s3 =	srdreg.scid;
	s16 =	simm.s32 $0x50;
	s17 =	simm.s32 $0x4E20  }
0x5: {  	s18 =	simm.s32 $0x6220;
	s20 =	simm.s32 $0x7620;
	s28 =	simm.s32 $0x5  }
0x6: {  	s29 =	simm.s32 $0x6;
	s30 =	simm.s32 $0x7;
	s31 =	simm.s32 $0x8  }
0x7: {  	s19 =	simm.s32 $0x0;
	s7 =	smul.u32 $0x13800, s11;
	s5 =	sand.u32 $0x1, s3  }
0x8: {  	s22 =	sshll.u32 s11, $0x1;
	[smem:$0x7FF] =	sst s2;
	s10 =	sadd.s32 $0x86400, s0  }
0x9: {  	s15 =	sadd.s32 $0x9C000, s1;
	p0 =	sne.s32 s11, $0x0;
	s26 =	sshll.u32 s11, $0x6  }
0xa: {  	s11 =	simm.s32 $0x9;
	s3 =	sor.u32 s5, s22;
	_ =	strace $0x8000004A  }
0xb: {  	s9 =	ssub.s32 $0x2, s5;
	s13 =	smul.u32 $0x138800, s5;
	s15 =	sshrl.u32 @!p0 s15, $0x3  }
0xc: {  	s22 =	simm.s32 $0x8A20;
	s6 =	sshrl.u32 s7, $0x4;
	s8 =	smul.u32 $0x2710, s3  }
0xd: {  	s3 =	sadd.s32 $0x72A00, s0;
	s12 =	sshrl.u32 s9, $0x1;
	s23 =	sshrl.u32 s7, $0x1  }
0xe: {  	s6 =	sadd.s32 s6, s0;
	s12 =	ssub.s32 s9, s12;
	s14 =	sadd.s32 s23, s1  }
0xf: {  	s7 =	sadd.s32 s7, s13;
	s24 =	sshrl.u32 s13, $0x4;
	s23 =	simm.s32 $0x1  }
0x10: {  	s8 =	sshrl.u32 s8, $0x3;
	s6 =	sadd.s32 $0x10E00, s6;
	s25 =	sshrl.u32 s7, $0x4  }
0x11: {  	s13 =	sadd.s32 s10, s24;
	s7 =	sadd.s32 $0x24600, s0;
	s14 =	sshrl.u32 s14, $0x3  }
0x12: {  	s24 =	simm.s32 $0x2;
	s4 =	sadd.s32 s4, s8;
	s8 =	sadd.s32 s10, s25  }
0x13: {  	s9 =	sadd.s32 $0x13800, s13;
	s10 =	smax.u32 s12, $0x1;
	s13 =	sor.u32 $0x1C09, s26  }
0x14: {  	s25 =	simm.s32 $0x3;
	s26 =	simm.s32 $0x4;
	s5 =	sadd.s32 $0x9C40, s4  }
.LBB2_1:
0x15: {  	[tilespmem:s2], [sflag:$0x9] =	stream.linear.gather [hbm4b:s4+s2], $0x2710, $0x38;
	[tilespmem:$0x13A60] =	vst v63  }
0x16: {  	_ =	swait.ge [sflag:s11], $0x2710  }
0x17: {  	[sflag:s11] =	ssyncset.done $0x0  }
0x18: {  	s0 =	simm.s32 $0x2710;
	[sflag:s11] =	ssyncadd.s32 $0xFFFFD8F0  }
0x19: {  	[tilespmem:s0], [sflag:$0x9] =	stream.linear.gather [hbm4b:s5+s2], $0x2710, $0x38;
	[tilespmem:$0x13A60] =	vst v63  }
0x1a: {  	_ =	swait.ge [sflag:s11], $0x2710  }
0x1b: {  	[sflag:s11] =	ssyncset.done $0x0  }
0x1c: {  	[sflag:s11] =	ssyncadd.s32 $0xFFFFD8F0  }
0x1d: {  	[spmem:s14], [sflag:s13] =	dma.local [hbm:s6], $0x1380  }
0x1e: {  	_ =	swait.ge [sflag:s11], $0x1380  }
0x1f: {  	[sflag:s11] =	ssyncset.done $0x0  }
0x20: {  	s0 =	simm.s32 @!p0 $0x9;
	[sflag:s11] =	ssyncadd.s32 $0xFFFFEC80  }
0x21: {  	[spmem:s15], [sflag:s13] =	dma.local @!p0 [hbm:s7], $0x80  }
0x22: {  	_ =	swait.ge @!p0 [sflag:s0], $0x80  }
0x23: {  	[sflag:s0] =	ssyncset.done @!p0 $0x0  }
0x24: {  	[sflag:s0] =	ssyncadd.s32 @!p0 $0xFFFFFF80  }
0x25: {  	[bflag:$0x0] =	sbarrier.arrive $0xFFFF  }
0x26: {  	[tilespmem:s17], [sflag:$0x1] =	stream.indirect.gather [hbm4b:s3+s16], $0x40, s2, s16, $0xb8;
	[tilespmem:$0x13A60] =	vst v63  }
0x27: {  	_ = 	snop  }
0x28: {  	[tilespmem:s18], [sflag:$0x2] =	stream.indirect.gather [hbm4b:s3+s16], $0x40, s16, s16, $0xb8;
	[tilespmem:$0x13A60] =	vst v63  }
0x29: {  	s21 =	simm.s32 $0xA0  }
0x2a: {  	[tilespmem:s20], [sflag:$0x3] =	stream.indirect.gather [hbm4b:s3+s16], $0x40, s21, s16, $0xb8;
	[tilespmem:$0x13A60] =	vst v63  }
0x2b: {  	s12 =	simm.s32 $0xF0  }
0x2c: {  	[tilespmem:s22], [sflag:$0x4] =	stream.indirect.gather [hbm4b:s3+s16], $0x40, s12, s16, $0xb8;
	[tilespmem:$0x13A60] =	vst v63  }
0x2d: {  	_ =	swait.ge [sflag:s23], $0x1400  }
0x2e: {  	[sflag:s23] =	ssyncset.done $0x0  }
0x2f: {  	s21 =	simm.s32 $0x2710;
	[sflag:s23] =	ssyncadd.s32 $0xFFFFEC00  }
0x30: {  	[spmem:s1] =	stream.indirect.scatter.add.bf16 [tilespmem:s17], [sflag:$0x5], $0x40, s21, s16, $0xb8;
	[tilespmem:$0x13A60] =	vst v63  }
0x31: {  	_ =	swait.ge [sflag:s24], $0x1400  }
0x32: {  	[sflag:s24] =	ssyncset.done $0x0  }
0x33: {  	s12 =	simm.s32 $0x2760;
	[sflag:s24] =	ssyncadd.s32 $0xFFFFEC00  }
0x34: {  	[spmem:s1] =	stream.indirect.scatter.add.bf16 [tilespmem:s18], [sflag:$0x6], $0x40, s12, s16, $0xb8;
	[tilespmem:$0x13A60] =	vst v63  }
0x35: {  	_ =	swait.ge [sflag:s25], $0x1400  }
0x36: {  	[sflag:s25] =	ssyncset.done $0x0  }
0x37: {  	s21 =	simm.s32 $0x27B0;
	[sflag:s25] =	ssyncadd.s32 $0xFFFFEC00  }
0x38: {  	[spmem:s1] =	stream.indirect.scatter.add.bf16 [tilespmem:s20], [sflag:$0x7], $0x40, s21, s16, $0xb8;
	[tilespmem:$0x13A60] =	vst v63  }
0x39: {  	_ =	swait.ge [sflag:s26], $0x1400  }
0x3a: {  	[sflag:s26] =	ssyncset.done $0x0  }
0x3b: {  	s12 =	simm.s32 $0x2800;
	[sflag:s26] =	ssyncadd.s32 $0xFFFFEC00  }
0x3c: {  	[spmem:s1] =	stream.indirect.scatter.add.bf16 [tilespmem:s22], [sflag:$0x8], $0x40, s12, s16, $0xb8;
	[tilespmem:$0x13A60] =	vst v63  }
0x3d: {  	_ =	swait.ge [sflag:s28], $0x1400  }
0x3e: {  	[sflag:s28] =	ssyncset.done $0x0  }
0x3f: {  	s21 =	simm.s32 $0x140;
	[sflag:s28] =	ssyncadd.s32 $0xFFFFEC00  }
0x40: {  	[tilespmem:s17], [sflag:$0x1] =	stream.indirect.gather [hbm4b:s3+s16], $0x40, s21, s16, $0xb8;
	[tilespmem:$0x13A60] =	vst v63  }
0x41: {  	_ =	swait.ge [sflag:s29], $0x1400  }
0x42: {  	[sflag:s29] =	ssyncset.done $0x0  }
0x43: {  	s12 =	simm.s32 $0x190;
	[sflag:s29] =	ssyncadd.s32 $0xFFFFEC00  }
0x44: {  	[tilespmem:s18], [sflag:$0x2] =	stream.indirect.gather [hbm4b:s3+s16], $0x40, s12, s16, $0xb8;
	[tilespmem:$0x13A60] =	vst v63  }
0x45: {  	_ =	swait.ge [sflag:s30], $0x1400  }
0x46: {  	[sflag:s30] =	ssyncset.done $0x0  }
0x47: {  	s21 =	simm.s32 $0x1E0;
	[sflag:s30] =	ssyncadd.s32 $0xFFFFEC00  }
0x48: {  	[tilespmem:s20], [sflag:$0x3] =	stream.indirect.gather [hbm4b:s3+s16], $0x40, s21, s16, $0xb8;
	[tilespmem:$0x13A60] =	vst v63  }
0x49: {  	_ =	swait.ge [sflag:s31], $0x1400  }
0x4a: {  	[sflag:s31] =	ssyncset.done $0x0  }
0x4b: {  	s0 =	simm.s32 $0x230;
	s21 =	simm.s32 $0x500;
	[sflag:s31] =	ssyncadd.s32 $0xFFFFEC00  }
.LBB2_2:
0x4c: {  	[tilespmem:s22], [sflag:$0x4] =	stream.indirect.gather [hbm4b:s3+s16], $0x40, s0, s16, $0xb8;
	[tilespmem:$0x13A60] =	vst v63  }
0x4d: {  	s0 =	smov.u32 s21  }
0x4e: {  	p1 =	sne.s32 s21, $0x9100;
	s21 =	sadd.s32 $0x500, s21;
	_ =	swait.ge [sflag:s23], $0x1400  }
0x4f: {  	s0 =	sshra.s32 s0, $0x2;
	[sflag:s23] =	ssyncset.done $0x0  }
0x50: {  	s12 =	sadd.s32 $0x2710, s0;
	[sflag:s23] =	ssyncadd.s32 $0xFFFFEC00  }
0x51: {  	[spmem:s1] =	stream.indirect.scatter.add.bf16 [tilespmem:s17], [sflag:$0x5], $0x40, s12, s16, $0xb8;
	[tilespmem:$0x13A60] =	vst v63  }
0x52: {  	_ =	swait.ge [sflag:s24], $0x1400  }
0x53: {  	[sflag:s24] =	ssyncset.done $0x0  }
0x54: {  	s12 =	sadd.s32 $0x2760, s0;
	[sflag:s24] =	ssyncadd.s32 $0xFFFFEC00  }
0x55: {  	[spmem:s1] =	stream.indirect.scatter.add.bf16 [tilespmem:s18], [sflag:$0x6], $0x40, s12, s16, $0xb8;
	[tilespmem:$0x13A60] =	vst v63  }
0x56: {  	_ =	swait.ge [sflag:s25], $0x1400  }
0x57: {  	[sflag:s25] =	ssyncset.done $0x0  }
0x58: {  	s12 =	sadd.s32 $0x27B0, s0;
	[sflag:s25] =	ssyncadd.s32 $0xFFFFEC00  }
0x59: {  	[spmem:s1] =	stream.indirect.scatter.add.bf16 [tilespmem:s20], [sflag:$0x7], $0x40, s12, s16, $0xb8;
	[tilespmem:$0x13A60] =	vst v63  }
0x5a: {  	_ =	swait.ge [sflag:s26], $0x1400  }
0x5b: {  	[sflag:s26] =	ssyncset.done $0x0  }
0x5c: {  	s12 =	sadd.s32 $0x2800, s0;
	[sflag:s26] =	ssyncadd.s32 $0xFFFFEC00  }
0x5d: {  	[spmem:s1] =	stream.indirect.scatter.add.bf16 [tilespmem:s22], [sflag:$0x8], $0x40, s12, s16, $0xb8;
	[tilespmem:$0x13A60] =	vst v63  }
0x5e: {  	_ =	swait.ge [sflag:s28], $0x1400  }
0x5f: {  	[sflag:s28] =	ssyncset.done $0x0  }
0x60: {  	s12 =	sadd.s32 $0x140, s0;
	[sflag:s28] =	ssyncadd.s32 $0xFFFFEC00  }
0x61: {  	[tilespmem:s17], [sflag:$0x1] =	stream.indirect.gather [hbm4b:s3+s16], $0x40, s12, s16, $0xb8;
	[tilespmem:$0x13A60] =	vst v63  }
0x62: {  	_ =	swait.ge [sflag:s29], $0x1400  }
0x63: {  	[sflag:s29] =	ssyncset.done $0x0  }
0x64: {  	s12 =	sadd.s32 $0x190, s0;
	[sflag:s29] =	ssyncadd.s32 $0xFFFFEC00  }
0x65: {  	[tilespmem:s18], [sflag:$0x2] =	stream.indirect.gather [hbm4b:s3+s16], $0x40, s12, s16, $0xb8;
	[tilespmem:$0x13A60] =	vst v63  }
0x66: {  	_ =	swait.ge [sflag:s30], $0x1400  }
0x67: {  	[sflag:s30] =	ssyncset.done $0x0  }
.Ltmp0:
0x68: {  	s12 =	sadd.s32 $0x1E0, s0;
	[sflag:s30] =	ssyncadd.s32 $0xFFFFEC00;
	(pc) =	sbr.rel @p1 .LBB2_2-.Ltmp0, $4  }
0x69: {  	[tilespmem:s20], [sflag:$0x3] =	stream.indirect.gather [hbm4b:s3+s16], $0x40, s12, s16, $0xb8;
	[tilespmem:$0x13A60] =	vst v63  }
0x6a: {  	_ =	swait.ge [sflag:s31], $0x1400  }
0x6b: {  	[sflag:s31] =	ssyncset.done $0x0  }
0x6c: {  	s0 =	sadd.s32 $0x230, s0;
	[sflag:s31] =	ssyncadd.s32 $0xFFFFEC00  }
0x6d: {  	[tilespmem:s22], [sflag:$0x4] =	stream.indirect.gather [hbm4b:s3+s16], $0x40, s0, s16, $0xb8;
	[tilespmem:$0x13A60] =	vst v63  }
0x6e: {  	_ =	swait.ge [sflag:s23], $0x1400  }
0x6f: {  	[sflag:s23] =	ssyncset.done $0x0  }
0x70: {  	s12 =	simm.s32 $0x4C90;
	[sflag:s23] =	ssyncadd.s32 $0xFFFFEC00  }
0x71: {  	[spmem:s1] =	stream.indirect.scatter.add.bf16 [tilespmem:s17], [sflag:$0x5], $0x40, s12, s16, $0xb8;
	[tilespmem:$0x13A60] =	vst v63  }
0x72: {  	_ =	swait.ge [sflag:s24], $0x1400  }
0x73: {  	[sflag:s24] =	ssyncset.done $0x0  }
0x74: {  	s21 =	simm.s32 $0x4CE0;
	[sflag:s24] =	ssyncadd.s32 $0xFFFFEC00  }
0x75: {  	[spmem:s1] =	stream.indirect.scatter.add.bf16 [tilespmem:s18], [sflag:$0x6], $0x40, s21, s16, $0xb8;
	[tilespmem:$0x13A60] =	vst v63  }
0x76: {  	_ =	swait.ge [sflag:s25], $0x1400  }
0x77: {  	[sflag:s25] =	ssyncset.done $0x0  }
0x78: {  	s12 =	simm.s32 $0x4D30;
	[sflag:s25] =	ssyncadd.s32 $0xFFFFEC00  }
0x79: {  	[spmem:s1] =	stream.indirect.scatter.add.bf16 [tilespmem:s20], [sflag:$0x7], $0x40, s12, s16, $0xb8;
	[tilespmem:$0x13A60] =	vst v63  }
0x7a: {  	_ =	swait.ge [sflag:s26], $0x1400  }
0x7b: {  	[sflag:s26] =	ssyncset.done $0x0  }
0x7c: {  	s21 =	simm.s32 $0x4D80;
	[sflag:s26] =	ssyncadd.s32 $0xFFFFEC00  }
0x7d: {  	[spmem:s1] =	stream.indirect.scatter.add.bf16 [tilespmem:s22], [sflag:$0x8], $0x40, s21, s16, $0xb8;
	[tilespmem:$0x13A60] =	vst v63  }
0x7e: {  	_ =	swait.ge [sflag:s28], $0x1400  }
0x7f: {  	[sflag:s28] =	ssyncset.done $0x0  }
0x80: {  	s12 =	simm.s32 $0x26C0;
	[sflag:s28] =	ssyncadd.s32 $0xFFFFEC00  }
0x81: {  	[tilespmem:s17], [sflag:$0x1] =	stream.indirect.gather [hbm4b:s3+s16], $0x40, s12, s16, $0xb8;
	[tilespmem:$0x13A60] =	vst v63  }
0x82: {  	_ =	swait.ge [sflag:s23], $0x1400  }
0x83: {  	[sflag:s23] =	ssyncset.done $0x0  }
0x84: {  	s21 =	simm.s32 $0x4DD0;
	[sflag:s23] =	ssyncadd.s32 $0xFFFFEC00  }
0x85: {  	[spmem:s1] =	stream.indirect.scatter.add.bf16 [tilespmem:s17], [sflag:$0x5], $0x40, s21, s16, $0xb8;
	[tilespmem:$0x13A60] =	vst v63  }
0x86: {  	_ =	swait.ge [sflag:s28], $0x1400  }
0x87: {  	[sflag:s28] =	ssyncset.done $0x0  }
0x88: {  	[sflag:s28] =	ssyncadd.s32 $0xFFFFEC00  }
0x89: {  	_ =	swait.ge [sflag:s29], $0x1400  }
0x8a: {  	[sflag:s29] =	ssyncset.done $0x0  }
0x8b: {  	[sflag:s29] =	ssyncadd.s32 $0xFFFFEC00  }
0x8c: {  	_ =	swait.ge [sflag:s30], $0x1400  }
0x8d: {  	[sflag:s30] =	ssyncset.done $0x0  }
0x8e: {  	[sflag:s30] =	ssyncadd.s32 $0xFFFFEC00  }
0x8f: {  	_ =	swait.ge [sflag:s31], $0x1400  }
0x90: {  	[sflag:s31] =	ssyncset.done $0x0  }
0x91: {  	[sflag:s31] =	ssyncadd.s32 $0xFFFFEC00  }
0x92: {  	[bflag:$0x0] =	sbarrier.arrive $0xFFFF  }
0x93: {  	[hbm:s8], [sflag:s13] =	dma.local [spmem:s14], $0x1380  }
0x94: {  	s19 =	sadd.s32 $0x1, s19;
	_ =	swait.ge [sflag:s11], $0x1380  }
0x95: {  	p1 =	sne.s32 s19, s10;
	[sflag:s11] =	ssyncset.done $0x0  }
.Ltmp1:
0x96: {  	s0 =	simm.s32 @!p0 $0x9;
	[sflag:s11] =	ssyncadd.s32 $0xFFFFEC80;
	(pc) =	sbr.rel @p1 .LBB2_1-.Ltmp1, $4  }
0x97: {  	[hbm:s9], [sflag:s13] =	dma.local @!p0 [spmem:s15], $0x80  }
0x98: {  	_ =	swait.ge @!p0 [sflag:s0], $0x80  }
0x99: {  	[sflag:s0] =	ssyncset.done @!p0 $0x0  }
0x9a: {  	[sflag:s0] =	ssyncadd.s32 @!p0 $0xFFFFFF80  }
0x9b: {  	_ =	sfence.sel $0x180000  }
0x9c: {  	[bflag:$0x0] =	sbarrier.arrive $0xFFFF  }
0x9d: {  	_ =	strace $0x9000004A  }
0x9e: {  	[bflag:$0x2] =	sbarrier.arrive $0xFFFF  }
0x9f: {  	s0 =	rddreg [dreg:$0x3]  }
0xa0: {  	s0 =	sadd.s32 @!p0 $0x100000, s0  }
0xa1: {  	[sflag:s0] =	ssyncadd.tile.s32 @!p0 $0x1;
	_ =	shalt  }
.Lfunc_end2:
_tile_overlayer_lowered:
.L_overlay_start_2:
0xa2: {  	(tag) =	ssettag $0x2  }
0xa3: {  	s0 =	rddreg [dreg:$0x0];
	s2 =	stileid.u32  }
0xa4: {  	s1 =	rddreg [dreg:$0x1];
	p0 =	sne.s32 s2, $0x0  }
0xa5: {  	s3 =	rddreg [dreg:$0x2];
	[bflag:$0x3] =	sbarrier.arrive $0xFFFF;
	s2 =	simm.s32 @!p0 $0x1C09  }
0xa6: {  	[timem:s3], [sflag:s2] =	dma.local @!p0 [hbm:s0], s1  }
0xa7: {  	s0 =	simm.s32 @!p0 $0x9  }
0xa8: {  	_ =	swait.ge @!p0 [sflag:s0], s1  }
0xa9: {  	s1 =	ssub.s32 @!p0 $0x0, s1;
	[sflag:s0] =	ssyncset.done @!p0 $0x0  }
0xaa: {  	[sflag:s0] =	ssyncadd.s32 @!p0 s1  }
0xab: {  	[bflag:$0x3] =	sbarrier.arrive $0xFFFF  }
0xac: {  	_ =	shalt  }

// kernel: kernel.14.cloned.1.call-start
scs
__scs_entry_jumppad:
0x0: {  	(pc) =	sbr.rel $0x88, $3  }
0x1: {  	(tag) =	ssettag $0x0;
	lr =	simm.s32 $0x1  }
0x2: {  	[smem:$0x3F9B] =	sst lr;
	_ =	strace $0xD0000000  }
0x3: {  	_ = 	snop  }
0x4: {  	_ = 	snop  }
0x5: {  	_ = 	snop  }
0x6: {  	_ = 	snop  }
0x7: {  	_ = 	snop  }
__scs_overlays_trampoline_lowered:
0x8: {  	[smem:$0x3FAA] =	sst s0  }
0x9: {  	[smem:$0x3FAB] =	sst s1  }
0xa: {  	[smem:$0x3FAC] =	sst s2  }
0xb: {  	[smem:$0x3FAD] =	sst s3  }
0xc: {  	[smem:$0x3FAE] =	sst s4  }
0xd: {  	[smem:$0x3FAF] =	sst s5  }
0xe: {  	[smem:$0x3FB0] =	sst s6  }
0xf: {  	[smem:$0x3FB1] =	sst s7  }
0x10: {  	[smem:$0x3FB2] =	sst s8  }
0x11: {  	[smem:$0x3FB3] =	sst s9;
	s0 =	simm.s32 @!p0 $0x0  }
0x12: {  	s1 =	sld [smem:$0x3F99];
	s0 =	simm.s32 @p0 $0x1  }
0x13: {  	[smem:$0x3FB4] =	sst s0;
	s0 =	simm.s32 @!p1 $0x0  }
0x14: {  	s2 =	sld [smem:$0x3F98];
	s0 =	simm.s32 @p1 $0x1  }
0x15: {  	[smem:$0x3FB5] =	sst s0;
	s0 =	simm.s32 @!p2 $0x0  }
0x16: {  	s3 =	sld [smem:$0x3FDB];
	s0 =	simm.s32 @p2 $0x1  }
0x17: {  	s4 =	simm.s32 $0x1BF5;
	[smem:$0x3FB7] =	sst s0  }
0x18: {  	s0 =	sld [smem:$0x3F9A];
	_ =	swait.ge [sflag:s4], $0x0  }
0x19: {  	s7 =	sld [smem:$0x3F9B]  }
0x1a: {  	s8 =	sadd.s32 $0xFFFFE003, lr  }
0x1b: {  	s9 =	sadd.s32 $0xFFFFFEF7, lr;
	s5 =	simm.s32 $0xFFFFFFFF;
	p2 =	slt.u32 s8, $0xFFFFF086  }
0x1c: {  	p1 =	slt.u32 s9, $0xF7A;
	s5 =	simm.s32 @!p2 $0x0  }
0x1d: {  	s5 =	simm.s32 @p1 $0x1;
	p0 =	seq.s32 s7, s2  }
0x1e: {  	s7 =	smul.u32 @!p0 $0xF7A, s2;
	p2 =	seq.s32 @!p0 s5, $0x0  }
0x1f: {  	s9 =	smul.u32 $0xF7A, s1;
	s8 =	simm.s32 @!p0 $0x1BF5;
	p2 =	por !p2, p0  }
0x20: {  	[sflag:s8] =	ssyncset.s32 @!p0 $0xFFFFF086;
	s6 =	sadd.s32 @!p0 s3, s7;
	s7 =	simm.s32 @!p0 $0x108  }
0x21: {  	s3 =	sadd.s32 s3, s9;
	s6 =	sadd.s32 @!p0 $0x88, s6;
	s7 =	simm.s32 @p2 $0x1082  }
0x22: {  	[simem:s7], [sflag:s8] =	dma.local @!p0 [hbm:s6], $0xF7A  }
0x23: {  	s9 =	sor.u32 $0xD0000000, s2;
	s6 =	simm.s32 $0x108;
	_ =	swait.ge @!p0 [sflag:s8], $0x0  }
0x24: {  	s3 =	sadd.s32 $0x88, s3;
	s6 =	simm.s32 @!p1 $0x1082;
	[sflag:s4] =	ssyncset.s32 $0xFFFFF086  }
0x25: {  	[simem:s6], [sflag:s4] =	dma.local [hbm:s3], $0xF7A  }
0x26: {  	[smem:$0x3F9B] =	sst s1;
	(tag) =	ssettag s2;
	_ =	strace s9  }
0x27: {  	s1 =	sld [smem:$0x3FAB]  }
0x28: {  	s2 =	sld [smem:$0x3FAC]  }
0x29: {  	s4 =	sld [smem:$0x3FAE]  }
0x2a: {  	p0 =	seq.s32 s5, $0x0;
	s5 =	sld [smem:$0x3FAF]  }
0x2b: {  	s6 =	sld [smem:$0x3FB0]  }
0x2c: {  	s7 =	sld [smem:$0x3FB1]  }
0x2d: {  	s3 =	simm.s32 $0x108;
	s8 =	sld [smem:$0x3FB2]  }
0x2e: {  	s3 =	simm.s32 @!p0 $0x1082;
	s9 =	sld [smem:$0x3FB3]  }
0x2f: {  	lr =	sadd.s32 s0, s3;
	s0 =	sld [smem:$0x3FAA]  }
0x30: {  	s3 =	sld [smem:$0x3FAD]  }
0x31: {  	[smem:$0x3FB6] =	sst s10  }
0x32: {  	s10 =	sld [smem:$0x3FB4];
	_ =	sdelay $0x3  }
0x33: {  	p0 =	seq.s32 s10, $0x1;
	s10 =	sld [smem:$0x3FB6];
	_ =	sdelay $0x3  }
0x34: {  	[smem:$0x3FB6] =	sst s10  }
0x35: {  	s10 =	sld [smem:$0x3FB5];
	_ =	sdelay $0x3  }
0x36: {  	p1 =	seq.s32 s10, $0x1;
	s10 =	sld [smem:$0x3FB6];
	_ =	sdelay $0x3  }
0x37: {  	[smem:$0x3FB6] =	sst s10  }
0x38: {  	s10 =	sld [smem:$0x3FB7]  }
0x39: {  	_ = 	snop;
	(pc) =	sbr.ind lr, $3  }
0x3a: {  	_ = 	snop  }
0x3b: {  	_ = 	snop  }
0x3c: {  	p2 =	seq.s32 s10, $0x1;
	s10 =	sld [smem:$0x3FB6]  }
0x3d: {  	_ =	shalt  }
0x3e: {  	_ =	shalt  }
0x3f: {  	_ =	shalt  }
0x40: {  	_ =	shalt  }
0x41: {  	_ =	shalt  }
0x42: {  	_ =	shalt  }
0x43: {  	_ =	shalt  }
0x44: {  	_ =	shalt  }
0x45: {  	_ =	shalt  }
0x46: {  	_ =	shalt  }
0x47: {  	_ =	shalt  }
0x48: {  	_ =	shalt  }
0x49: {  	_ =	shalt  }
0x4a: {  	_ =	shalt  }
0x4b: {  	_ =	shalt  }
0x4c: {  	_ =	shalt  }
0x4d: {  	_ =	shalt  }
0x4e: {  	_ =	shalt  }
0x4f: {  	_ =	shalt  }
0x50: {  	_ =	shalt  }
0x51: {  	_ =	shalt  }
0x52: {  	_ =	shalt  }
0x53: {  	_ =	shalt  }
0x54: {  	_ =	shalt  }
0x55: {  	_ =	shalt  }
0x56: {  	_ =	shalt  }
0x57: {  	_ =	shalt  }
0x58: {  	_ =	shalt  }
0x59: {  	_ =	shalt  }
0x5a: {  	_ =	shalt  }
0x5b: {  	_ =	shalt  }
0x5c: {  	_ =	shalt  }
0x5d: {  	_ =	shalt  }
0x5e: {  	_ =	shalt  }
0x5f: {  	_ =	shalt  }
0x60: {  	_ =	shalt  }
0x61: {  	_ =	shalt  }
0x62: {  	_ =	shalt  }
0x63: {  	_ =	shalt  }
0x64: {  	_ =	shalt  }
0x65: {  	_ =	shalt  }
0x66: {  	_ =	shalt  }
0x67: {  	_ =	shalt  }
0x68: {  	_ =	shalt  }
0x69: {  	_ =	shalt  }
0x6a: {  	_ =	shalt  }
0x6b: {  	_ =	shalt  }
0x6c: {  	_ =	shalt  }
0x6d: {  	_ =	shalt  }
0x6e: {  	_ =	shalt  }
0x6f: {  	_ =	shalt  }
0x70: {  	_ =	shalt  }
0x71: {  	_ =	shalt  }
0x72: {  	_ =	shalt  }
0x73: {  	_ =	shalt  }
0x74: {  	_ =	shalt  }
0x75: {  	_ =	shalt  }
0x76: {  	_ =	shalt  }
0x77: {  	_ =	shalt  }
0x78: {  	_ =	shalt  }
0x79: {  	_ =	shalt  }
0x7a: {  	_ =	shalt  }
0x7b: {  	_ =	shalt  }
0x7c: {  	_ =	shalt  }
0x7d: {  	_ =	shalt  }
0x7e: {  	_ =	shalt  }
0x7f: {  	_ =	shalt  }
0x80: {  	_ =	shalt  }
0x81: {  	_ =	shalt  }
0x82: {  	_ =	shalt  }
0x83: {  	_ =	shalt  }
0x84: {  	_ =	shalt  }
0x85: {  	_ =	shalt  }
0x86: {  	_ =	shalt  }
0x87: {  	_ =	shalt  }
.Lfunc_end0:
.L_simem_size_0:
called_computation.2_lowered:
.L_overlay_start_0:
0x88: {  	s2 =	sld [smem:$0x3FD9]  }
0x89: {  	s3 =	sld [smem:$0x3FFE];
	_ =	sdelay $0x1  }
0x8a: {  	s1 =	srdreg.scid  }
0x8b: {  	s0 =	sand.u32 $0x1, s1  }
0x8c: {  	s17 =	sshll.u32 s0, $0xA;
	s2 =	sadd.s32 s3, s2  }
0x8d: {  	s2 =	sadd.s32 s2, s17  }
0x8e: {  	[smem:$0x3FC2] =	sst s2  }
0x8f: {  	_ = 	snop  }
0x90: {  	s2 =	sld [smem:$0x3FD0];
	(tm) =	ssettm $0x1  }
0x91: {  	s18 =	sld [smem:$0x3FFB];
	_ =	sdelay $0x3  }
0x92: {  	_ =	strace s18  }
0x93: {  	s3 =	sld [smem:$0x3FFC];
	_ =	sdelay $0x3  }
0x94: {  	_ =	strace s3  }
0x95: {  	s3 =	sld [smem:$0x3FFD];
	_ =	sdelay $0x3  }
0x96: {  	_ =	strace s3  }
0x97: {  	_ =	strace $0x8FFFFFFF  }
0x98: {  	s19 =	sld [smem:$0x3FDB];
	_ =	sdelay $0x1  }
0x99: {  	s4 =	simm.s32 $_scs_section_size  }
0x9a: {  	s5 =	simm.s32 $_size__tile_overlayer_lowered;
	s6 =	simm.s32 $_tile_overlayer_lowered  }
0x9b: {  	s22 =	simm.s32 $0x1BFF;
	s21 =	sshll.u32 s6, $0x1;
	s3 =	sadd.s32 s4, s19  }
0x9c: {  	s7 =	simm.s32 $0x0;
	s20 =	sshll.u32 s5, $0x1;
	s5 =	sadd.s32 s21, s3  }
0x9d: {  	[timem:s7], [sflag:s22] =	dma.local [hbm:s5], s20  }
0x9e: {  	_ =	swait.ge [sflag:s22], s20  }
0x9f: {  	s4 =	ssub.s32 $0x0, s20;
	[sflag:s22] =	ssyncset.done $0x0  }
0xa0: {  	[sflag:s22] =	ssyncadd.s32 s4;
	_ =	sdelay $0x1  }
0xa1: {  	s23 =	simm.s32 $0x1B8B  }
0xa2: {  	_ =	swait.ge [sflag:s23], $0x1  }
0xa3: {  	[sflag:s23] =	ssyncset.done $0x0  }
0xa4: {  	s25 =	simm.s32 $0x1B8E;
	s24 =	sld [smem:$0x3FFE];
	[sflag:s23] =	ssyncadd.s32 $0xFFFFFFFF  }
0xa5: {  	s26 =	simm.s32 $execute0_lowered;
	[smem:$0x3FD2] =	sst s25  }
0xa6: {  	s5 =	sshll.u32 s26, $0x1;
	_ =	strace $0x8000004C;
	[dreg:$0x1] =	wrdreg $0xFFFFFFFF  }
0xa7: {  	s28 =	simm.s32 $_size_execute0_lowered;
	s3 =	sadd.s32 s3, s5;
	[dreg:$0x0] =	wrdreg $0x0  }
0xa8: {  	s5 =	sshll.u32 s28, $0x1;
	[dreg:$0x2] =	wrdreg s3  }
0xa9: {  	[dreg:$0x3] =	wrdreg s5  }
0xaa: {  	[dreg:$0x4] =	wrdreg $0xC0  }
0xab: {  	_ =	task [dreg:s7], $0x5FFFF  }
0xac: {  	[dreg:$0x1] =	wrdreg $0xFFFFFFFF  }
0xad: {  	[dreg:$0x0] =	wrdreg $0x60  }
0xae: {  	[dreg:$0x2] =	wrdreg s24  }
0xaf: {  	[dreg:$0x3] =	wrdreg s2  }
0xb0: {  	[dreg:$0x4] =	wrdreg $0x76200  }
0xb1: {  	[dreg:$0x5] =	wrdreg $0x9  }
0xb2: {  	_ =	task.clear_ibuf [dreg:s7], $0x6FFFF;
	_ =	strace $0x9000004C  }
0xb3: {  	s29 =	simm.s32 $0x9;
	_ =	strace $0x8000004E  }
0xb4: {  	_ =	swait.ge [sflag:s29], $0x1  }
0xb5: {  	[sflag:s29] =	ssyncadd.s32 $0xFFFFFFFF  }
0xb6: {  	_ =	strace $0x9000004E  }
0xb7: {  	_ =	sfence  }
0xb8: {  	s30 =	sld [smem:$0x0];
	_ =	sdelay $0x2  }
0xb9: {  	s31 =	sshll.u32 s1, $0xD;
	s1 =	sshrl.u32 s1, $0x2  }
0xba: {  	s3 =	sand.u32 $0x4000, s31;
	s1 =	sadd.s32 s1, s30  }
0xbb: {  	s0 =	sor.u32 s3, s0;
	s1 =	sshll.u32 s1, $0x11  }
0xbc: {  	s0 =	sor.u32 s1, s0  }
0xbd: {  	s0 =	sadd.s32 $0x8F2B, s0  }
0xbe: {  	[sflag:s0] =	ssyncadd.remote.s32 $0x1  }
0xbf: {  	_ =	sfence.sel $0xFFFF  }
0xc0: {  	[dreg:$0x0] =	wrdreg $0xFFFFFFFF;
	(pc) =	sbr.abs _section_cstart, $3  }
0xc1: {  	[dreg:$0x1] =	wrdreg $0xFFFFFFFF  }
0xc2: {  	_ =	task.clear_ibuf [dreg:s7], $0x2FFFF;
	_ =	strace $0x9FFFFFFF  }
0xc3: {  	(tm) =	ssettm $0x7FFFFFFF  }
tec
execute0_lowered:
.L_overlay_start_1:
0x0: {  	(tag) =	ssettag $0x1  }
0x1: {  	s0 =	rddreg [dreg:$0x0]  }
0x2: {  	s4 =	rddreg [dreg:$0x1]  }
0x3: {  	s1 =	rddreg [dreg:$0x2];
	s2 =	simm.s32 $0x0;
	s11 =	stileid.u32  }
0x4: {  	s3 =	srdreg.scid;
	s16 =	simm.s32 $0x50;
	s17 =	simm.s32 $0x4E20  }
0x5: {  	s18 =	simm.s32 $0x5820;
	s20 =	simm.s32 $0x6220;
	s28 =	simm.s32 $0x5  }
0x6: {  	s29 =	simm.s32 $0x6;
	s30 =	simm.s32 $0x7;
	s31 =	simm.s32 $0x8  }
0x7: {  	s19 =	simm.s32 $0x0;
	s7 =	smul.u32 $0x9C00, s11;
	s5 =	sand.u32 $0x1, s3  }
0x8: {  	s22 =	sshll.u32 s11, $0x1;
	[smem:$0x7FF] =	sst s2;
	s10 =	sadd.s32 $0x72A00, s0  }
0x9: {  	s15 =	sadd.s32 $0x4E000, s1;
	p0 =	sne.s32 s11, $0x0;
	s26 =	sshll.u32 s11, $0x6  }
0xa: {  	s11 =	simm.s32 $0x9;
	s3 =	sor.u32 s5, s22;
	_ =	strace $0x8000004D  }
0xb: {  	s9 =	ssub.s32 $0x2, s5;
	s13 =	smul.u32 $0x9C400, s5;
	s15 =	sshrl.u32 @!p0 s15, $0x3  }
0xc: {  	s22 =	simm.s32 $0x6C20;
	s6 =	sshrl.u32 s7, $0x4;
	s8 =	smul.u32 $0x2710, s3  }
0xd: {  	s3 =	sadd.s32 $0xBC00, s0;
	s12 =	sshrl.u32 s9, $0x1;
	s23 =	sshrl.u32 s7, $0x1  }
0xe: {  	s6 =	sadd.s32 s6, s0;
	s12 =	ssub.s32 s9, s12;
	s14 =	sadd.s32 s23, s1  }
0xf: {  	s7 =	sadd.s32 s7, s13;
	s24 =	sshrl.u32 s13, $0x4;
	s23 =	simm.s32 $0x1  }
0x10: {  	s8 =	sshrl.u32 s8, $0x3;
	s6 =	sadd.s32 $0x1E00, s6;
	s25 =	sshrl.u32 s7, $0x4  }
0x11: {  	s13 =	sadd.s32 s10, s24;
	s7 =	sadd.s32 $0xBA00, s0;
	s14 =	sshrl.u32 s14, $0x3  }
0x12: {  	s24 =	simm.s32 $0x2;
	s4 =	sadd.s32 s4, s8;
	s8 =	sadd.s32 s10, s25  }
0x13: {  	s9 =	sadd.s32 $0x9C00, s13;
	s10 =	smax.u32 s12, $0x1;
	s13 =	sor.u32 $0x1C09, s26  }
0x14: {  	s25 =	simm.s32 $0x3;
	s26 =	simm.s32 $0x4;
	s5 =	sadd.s32 $0x9C40, s4  }
.LBB2_1:
0x15: {  	[tilespmem:s2], [sflag:$0x9] =	stream.linear.gather [hbm4b:s4+s2], $0x2710, $0x38;
	[tilespmem:$0xC440] =	vst v63  }
0x16: {  	_ =	swait.ge [sflag:s11], $0x2710  }
0x17: {  	[sflag:s11] =	ssyncset.done $0x0  }
0x18: {  	s0 =	simm.s32 $0x2710;
	[sflag:s11] =	ssyncadd.s32 $0xFFFFD8F0  }
0x19: {  	[tilespmem:s0], [sflag:$0x9] =	stream.linear.gather [hbm4b:s5+s2], $0x2710, $0x38;
	[tilespmem:$0xC440] =	vst v63  }
0x1a: {  	_ =	swait.ge [sflag:s11], $0x2710  }
0x1b: {  	[sflag:s11] =	ssyncset.done $0x0  }
0x1c: {  	[sflag:s11] =	ssyncadd.s32 $0xFFFFD8F0  }
0x1d: {  	[spmem:s14], [sflag:s13] =	dma.local [hbm:s6], $0x9C0  }
0x1e: {  	_ =	swait.ge [sflag:s11], $0x9C0  }
0x1f: {  	[sflag:s11] =	ssyncset.done $0x0  }
0x20: {  	s0 =	simm.s32 @!p0 $0x9;
	[sflag:s11] =	ssyncadd.s32 $0xFFFFF640  }
0x21: {  	[spmem:s15], [sflag:s13] =	dma.local @!p0 [hbm:s7], $0x40  }
0x22: {  	_ =	swait.ge @!p0 [sflag:s0], $0x40  }
0x23: {  	[sflag:s0] =	ssyncset.done @!p0 $0x0  }
0x24: {  	[sflag:s0] =	ssyncadd.s32 @!p0 $0xFFFFFFC0  }
0x25: {  	[bflag:$0x0] =	sbarrier.arrive $0xFFFF  }
0x26: {  	[tilespmem:s17], [sflag:$0x1] =	stream.indirect.gather [hbm4b:s3+s16], $0x20, s2, s16, $0xb8;
	[tilespmem:$0xC440] =	vst v63  }
0x27: {  	_ = 	snop  }
0x28: {  	[tilespmem:s18], [sflag:$0x2] =	stream.indirect.gather [hbm4b:s3+s16], $0x20, s16, s16, $0xb8;
	[tilespmem:$0xC440] =	vst v63  }
0x29: {  	s21 =	simm.s32 $0xA0  }
0x2a: {  	[tilespmem:s20], [sflag:$0x3] =	stream.indirect.gather [hbm4b:s3+s16], $0x20, s21, s16, $0xb8;
	[tilespmem:$0xC440] =	vst v63  }
0x2b: {  	s12 =	simm.s32 $0xF0  }
0x2c: {  	[tilespmem:s22], [sflag:$0x4] =	stream.indirect.gather [hbm4b:s3+s16], $0x20, s12, s16, $0xb8;
	[tilespmem:$0xC440] =	vst v63  }
0x2d: {  	_ =	swait.ge [sflag:s23], $0xA00  }
0x2e: {  	[sflag:s23] =	ssyncset.done $0x0  }
0x2f: {  	s21 =	simm.s32 $0x2710;
	[sflag:s23] =	ssyncadd.s32 $0xFFFFF600  }
0x30: {  	[spmem:s1] =	stream.indirect.scatter.add.bf16 [tilespmem:s17], [sflag:$0x5], $0x20, s21, s16, $0xb8;
	[tilespmem:$0xC440] =	vst v63  }
0x31: {  	_ =	swait.ge [sflag:s24], $0xA00  }
0x32: {  	[sflag:s24] =	ssyncset.done $0x0  }
0x33: {  	s12 =	simm.s32 $0x2760;
	[sflag:s24] =	ssyncadd.s32 $0xFFFFF600  }
0x34: {  	[spmem:s1] =	stream.indirect.scatter.add.bf16 [tilespmem:s18], [sflag:$0x6], $0x20, s12, s16, $0xb8;
	[tilespmem:$0xC440] =	vst v63  }
0x35: {  	_ =	swait.ge [sflag:s25], $0xA00  }
0x36: {  	[sflag:s25] =	ssyncset.done $0x0  }
0x37: {  	s21 =	simm.s32 $0x27B0;
	[sflag:s25] =	ssyncadd.s32 $0xFFFFF600  }
0x38: {  	[spmem:s1] =	stream.indirect.scatter.add.bf16 [tilespmem:s20], [sflag:$0x7], $0x20, s21, s16, $0xb8;
	[tilespmem:$0xC440] =	vst v63  }
0x39: {  	_ =	swait.ge [sflag:s26], $0xA00  }
0x3a: {  	[sflag:s26] =	ssyncset.done $0x0  }
0x3b: {  	s12 =	simm.s32 $0x2800;
	[sflag:s26] =	ssyncadd.s32 $0xFFFFF600  }
0x3c: {  	[spmem:s1] =	stream.indirect.scatter.add.bf16 [tilespmem:s22], [sflag:$0x8], $0x20, s12, s16, $0xb8;
	[tilespmem:$0xC440] =	vst v63  }
0x3d: {  	_ =	swait.ge [sflag:s28], $0xA00  }
0x3e: {  	[sflag:s28] =	ssyncset.done $0x0  }
0x3f: {  	s21 =	simm.s32 $0x140;
	[sflag:s28] =	ssyncadd.s32 $0xFFFFF600  }
0x40: {  	[tilespmem:s17], [sflag:$0x1] =	stream.indirect.gather [hbm4b:s3+s16], $0x20, s21, s16, $0xb8;
	[tilespmem:$0xC440] =	vst v63  }
0x41: {  	_ =	swait.ge [sflag:s29], $0xA00  }
0x42: {  	[sflag:s29] =	ssyncset.done $0x0  }
0x43: {  	s12 =	simm.s32 $0x190;
	[sflag:s29] =	ssyncadd.s32 $0xFFFFF600  }
0x44: {  	[tilespmem:s18], [sflag:$0x2] =	stream.indirect.gather [hbm4b:s3+s16], $0x20, s12, s16, $0xb8;
	[tilespmem:$0xC440] =	vst v63  }
0x45: {  	_ =	swait.ge [sflag:s30], $0xA00  }
0x46: {  	[sflag:s30] =	ssyncset.done $0x0  }
0x47: {  	s21 =	simm.s32 $0x1E0;
	[sflag:s30] =	ssyncadd.s32 $0xFFFFF600  }
0x48: {  	[tilespmem:s20], [sflag:$0x3] =	stream.indirect.gather [hbm4b:s3+s16], $0x20, s21, s16, $0xb8;
	[tilespmem:$0xC440] =	vst v63  }
0x49: {  	_ =	swait.ge [sflag:s31], $0xA00  }
0x4a: {  	[sflag:s31] =	ssyncset.done $0x0  }
0x4b: {  	s0 =	simm.s32 $0x230;
	s21 =	simm.s32 $0x500;
	[sflag:s31] =	ssyncadd.s32 $0xFFFFF600  }
.LBB2_2:
0x4c: {  	[tilespmem:s22], [sflag:$0x4] =	stream.indirect.gather [hbm4b:s3+s16], $0x20, s0, s16, $0xb8;
	[tilespmem:$0xC440] =	vst v63  }
0x4d: {  	s0 =	smov.u32 s21  }
0x4e: {  	p1 =	sne.s32 s21, $0x9100;
	s21 =	sadd.s32 $0x500, s21;
	_ =	swait.ge [sflag:s23], $0xA00  }
0x4f: {  	s0 =	sshra.s32 s0, $0x2;
	[sflag:s23] =	ssyncset.done $0x0  }
0x50: {  	s12 =	sadd.s32 $0x2710, s0;
	[sflag:s23] =	ssyncadd.s32 $0xFFFFF600  }
0x51: {  	[spmem:s1] =	stream.indirect.scatter.add.bf16 [tilespmem:s17], [sflag:$0x5], $0x20, s12, s16, $0xb8;
	[tilespmem:$0xC440] =	vst v63  }
0x52: {  	_ =	swait.ge [sflag:s24], $0xA00  }
0x53: {  	[sflag:s24] =	ssyncset.done $0x0  }
0x54: {  	s12 =	sadd.s32 $0x2760, s0;
	[sflag:s24] =	ssyncadd.s32 $0xFFFFF600  }
0x55: {  	[spmem:s1] =	stream.indirect.scatter.add.bf16 [tilespmem:s18], [sflag:$0x6], $0x20, s12, s16, $0xb8;
	[tilespmem:$0xC440] =	vst v63  }
0x56: {  	_ =	swait.ge [sflag:s25], $0xA00  }
0x57: {  	[sflag:s25] =	ssyncset.done $0x0  }
0x58: {  	s12 =	sadd.s32 $0x27B0, s0;
	[sflag:s25] =	ssyncadd.s32 $0xFFFFF600  }
0x59: {  	[spmem:s1] =	stream.indirect.scatter.add.bf16 [tilespmem:s20], [sflag:$0x7], $0x20, s12, s16, $0xb8;
	[tilespmem:$0xC440] =	vst v63  }
0x5a: {  	_ =	swait.ge [sflag:s26], $0xA00  }
0x5b: {  	[sflag:s26] =	ssyncset.done $0x0  }
0x5c: {  	s12 =	sadd.s32 $0x2800, s0;
	[sflag:s26] =	ssyncadd.s32 $0xFFFFF600  }
0x5d: {  	[spmem:s1] =	stream.indirect.scatter.add.bf16 [tilespmem:s22], [sflag:$0x8], $0x20, s12, s16, $0xb8;
	[tilespmem:$0xC440] =	vst v63  }
0x5e: {  	_ =	swait.ge [sflag:s28], $0xA00  }
0x5f: {  	[sflag:s28] =	ssyncset.done $0x0  }
0x60: {  	s12 =	sadd.s32 $0x140, s0;
	[sflag:s28] =	ssyncadd.s32 $0xFFFFF600  }
0x61: {  	[tilespmem:s17], [sflag:$0x1] =	stream.indirect.gather [hbm4b:s3+s16], $0x20, s12, s16, $0xb8;
	[tilespmem:$0xC440] =	vst v63  }
0x62: {  	_ =	swait.ge [sflag:s29], $0xA00  }
0x63: {  	[sflag:s29] =	ssyncset.done $0x0  }
0x64: {  	s12 =	sadd.s32 $0x190, s0;
	[sflag:s29] =	ssyncadd.s32 $0xFFFFF600  }
0x65: {  	[tilespmem:s18], [sflag:$0x2] =	stream.indirect.gather [hbm4b:s3+s16], $0x20, s12, s16, $0xb8;
	[tilespmem:$0xC440] =	vst v63  }
0x66: {  	_ =	swait.ge [sflag:s30], $0xA00  }
0x67: {  	[sflag:s30] =	ssyncset.done $0x0  }
.Ltmp0:
0x68: {  	s12 =	sadd.s32 $0x1E0, s0;
	[sflag:s30] =	ssyncadd.s32 $0xFFFFF600;
	(pc) =	sbr.rel @p1 .LBB2_2-.Ltmp0, $4  }
0x69: {  	[tilespmem:s20], [sflag:$0x3] =	stream.indirect.gather [hbm4b:s3+s16], $0x20, s12, s16, $0xb8;
	[tilespmem:$0xC440] =	vst v63  }
0x6a: {  	_ =	swait.ge [sflag:s31], $0xA00  }
0x6b: {  	[sflag:s31] =	ssyncset.done $0x0  }
0x6c: {  	s0 =	sadd.s32 $0x230, s0;
	[sflag:s31] =	ssyncadd.s32 $0xFFFFF600  }
0x6d: {  	[tilespmem:s22], [sflag:$0x4] =	stream.indirect.gather [hbm4b:s3+s16], $0x20, s0, s16, $0xb8;
	[tilespmem:$0xC440] =	vst v63  }
0x6e: {  	_ =	swait.ge [sflag:s23], $0xA00  }
0x6f: {  	[sflag:s23] =	ssyncset.done $0x0  }
0x70: {  	s12 =	simm.s32 $0x4C90;
	[sflag:s23] =	ssyncadd.s32 $0xFFFFF600  }
0x71: {  	[spmem:s1] =	stream.indirect.scatter.add.bf16 [tilespmem:s17], [sflag:$0x5], $0x20, s12, s16, $0xb8;
	[tilespmem:$0xC440] =	vst v63  }
0x72: {  	_ =	swait.ge [sflag:s24], $0xA00  }
0x73: {  	[sflag:s24] =	ssyncset.done $0x0  }
0x74: {  	s21 =	simm.s32 $0x4CE0;
	[sflag:s24] =	ssyncadd.s32 $0xFFFFF600  }
0x75: {  	[spmem:s1] =	stream.indirect.scatter.add.bf16 [tilespmem:s18], [sflag:$0x6], $0x20, s21, s16, $0xb8;
	[tilespmem:$0xC440] =	vst v63  }
0x76: {  	_ =	swait.ge [sflag:s25], $0xA00  }
0x77: {  	[sflag:s25] =	ssyncset.done $0x0  }
0x78: {  	s12 =	simm.s32 $0x4D30;
	[sflag:s25] =	ssyncadd.s32 $0xFFFFF600  }
0x79: {  	[spmem:s1] =	stream.indirect.scatter.add.bf16 [tilespmem:s20], [sflag:$0x7], $0x20, s12, s16, $0xb8;
	[tilespmem:$0xC440] =	vst v63  }
0x7a: {  	_ =	swait.ge [sflag:s26], $0xA00  }
0x7b: {  	[sflag:s26] =	ssyncset.done $0x0  }
0x7c: {  	s21 =	simm.s32 $0x4D80;
	[sflag:s26] =	ssyncadd.s32 $0xFFFFF600  }
0x7d: {  	[spmem:s1] =	stream.indirect.scatter.add.bf16 [tilespmem:s22], [sflag:$0x8], $0x20, s21, s16, $0xb8;
	[tilespmem:$0xC440] =	vst v63  }
0x7e: {  	_ =	swait.ge [sflag:s28], $0xA00  }
0x7f: {  	[sflag:s28] =	ssyncset.done $0x0  }
0x80: {  	s12 =	simm.s32 $0x26C0;
	[sflag:s28] =	ssyncadd.s32 $0xFFFFF600  }
0x81: {  	[tilespmem:s17], [sflag:$0x1] =	stream.indirect.gather [hbm4b:s3+s16], $0x20, s12, s16, $0xb8;
	[tilespmem:$0xC440] =	vst v63  }
0x82: {  	_ =	swait.ge [sflag:s23], $0xA00  }
0x83: {  	[sflag:s23] =	ssyncset.done $0x0  }
0x84: {  	s21 =	simm.s32 $0x4DD0;
	[sflag:s23] =	ssyncadd.s32 $0xFFFFF600  }
0x85: {  	[spmem:s1] =	stream.indirect.scatter.add.bf16 [tilespmem:s17], [sflag:$0x5], $0x20, s21, s16, $0xb8;
	[tilespmem:$0xC440] =	vst v63  }
0x86: {  	_ =	swait.ge [sflag:s28], $0xA00  }
0x87: {  	[sflag:s28] =	ssyncset.done $0x0  }
0x88: {  	[sflag:s28] =	ssyncadd.s32 $0xFFFFF600  }
0x89: {  	_ =	swait.ge [sflag:s29], $0xA00  }
0x8a: {  	[sflag:s29] =	ssyncset.done $0x0  }
0x8b: {  	[sflag:s29] =	ssyncadd.s32 $0xFFFFF600  }
0x8c: {  	_ =	swait.ge [sflag:s30], $0xA00  }
0x8d: {  	[sflag:s30] =	ssyncset.done $0x0  }
0x8e: {  	[sflag:s30] =	ssyncadd.s32 $0xFFFFF600  }
0x8f: {  	_ =	swait.ge [sflag:s31], $0xA00  }
0x90: {  	[sflag:s31] =	ssyncset.done $0x0  }
0x91: {  	[sflag:s31] =	ssyncadd.s32 $0xFFFFF600  }
0x92: {  	[bflag:$0x0] =	sbarrier.arrive $0xFFFF  }
0x93: {  	[hbm:s8], [sflag:s13] =	dma.local [spmem:s14], $0x9C0  }
0x94: {  	s19 =	sadd.s32 $0x1, s19;
	_ =	swait.ge [sflag:s11], $0x9C0  }
0x95: {  	p1 =	sne.s32 s19, s10;
	[sflag:s11] =	ssyncset.done $0x0  }
.Ltmp1:
0x96: {  	s0 =	simm.s32 @!p0 $0x9;
	[sflag:s11] =	ssyncadd.s32 $0xFFFFF640;
	(pc) =	sbr.rel @p1 .LBB2_1-.Ltmp1, $4  }
0x97: {  	[hbm:s9], [sflag:s13] =	dma.local @!p0 [spmem:s15], $0x40  }
0x98: {  	_ =	swait.ge @!p0 [sflag:s0], $0x40  }
0x99: {  	[sflag:s0] =	ssyncset.done @!p0 $0x0  }
0x9a: {  	[sflag:s0] =	ssyncadd.s32 @!p0 $0xFFFFFFC0  }
0x9b: {  	_ =	sfence.sel $0x180000  }
0x9c: {  	[bflag:$0x0] =	sbarrier.arrive $0xFFFF  }
0x9d: {  	_ =	strace $0x9000004D  }
0x9e: {  	[bflag:$0x2] =	sbarrier.arrive $0xFFFF  }
0x9f: {  	s0 =	rddreg [dreg:$0x3]  }
0xa0: {  	s0 =	sadd.s32 @!p0 $0x100000, s0  }
0xa1: {  	[sflag:s0] =	ssyncadd.tile.s32 @!p0 $0x1;
	_ =	shalt  }
.Lfunc_end2:
_tile_overlayer_lowered:
.L_overlay_start_2:
0xa2: {  	(tag) =	ssettag $0x2  }
0xa3: {  	s0 =	rddreg [dreg:$0x0];
	s2 =	stileid.u32  }
0xa4: {  	s1 =	rddreg [dreg:$0x1];
	p0 =	sne.s32 s2, $0x0  }
0xa5: {  	s3 =	rddreg [dreg:$0x2];
	[bflag:$0x3] =	sbarrier.arrive $0xFFFF;
	s2 =	simm.s32 @!p0 $0x1C09  }
0xa6: {  	[timem:s3], [sflag:s2] =	dma.local @!p0 [hbm:s0], s1  }
0xa7: {  	s0 =	simm.s32 @!p0 $0x9  }
0xa8: {  	_ =	swait.ge @!p0 [sflag:s0], s1  }
0xa9: {  	s1 =	ssub.s32 @!p0 $0x0, s1;
	[sflag:s0] =	ssyncset.done @!p0 $0x0  }
0xaa: {  	[sflag:s0] =	ssyncadd.s32 @!p0 s1  }
0xab: {  	[bflag:$0x3] =	sbarrier.arrive $0xFFFF  }
0xac: {  	_ =	shalt  }

// kernel: kernel.8.cloned.1.call-start
scs
__scs_entry_jumppad:
0x0: {  	(pc) =	sbr.rel $0x88, $3  }
0x1: {  	(tag) =	ssettag $0x0;
	lr =	simm.s32 $0x1  }
0x2: {  	[smem:$0x3F9B] =	sst lr;
	_ =	strace $0xD0000000  }
0x3: {  	_ = 	snop  }
0x4: {  	_ = 	snop  }
0x5: {  	_ = 	snop  }
0x6: {  	_ = 	snop  }
0x7: {  	_ = 	snop  }
__scs_overlays_trampoline_lowered:
0x8: {  	[smem:$0x3FAA] =	sst s0  }
0x9: {  	[smem:$0x3FAB] =	sst s1  }
0xa: {  	[smem:$0x3FAC] =	sst s2  }
0xb: {  	[smem:$0x3FAD] =	sst s3  }
0xc: {  	[smem:$0x3FAE] =	sst s4  }
0xd: {  	[smem:$0x3FAF] =	sst s5  }
0xe: {  	[smem:$0x3FB0] =	sst s6  }
0xf: {  	[smem:$0x3FB1] =	sst s7  }
0x10: {  	[smem:$0x3FB2] =	sst s8  }
0x11: {  	[smem:$0x3FB3] =	sst s9;
	s0 =	simm.s32 @!p0 $0x0  }
0x12: {  	s1 =	sld [smem:$0x3F99];
	s0 =	simm.s32 @p0 $0x1  }
0x13: {  	[smem:$0x3FB4] =	sst s0;
	s0 =	simm.s32 @!p1 $0x0  }
0x14: {  	s2 =	sld [smem:$0x3F98];
	s0 =	simm.s32 @p1 $0x1  }
0x15: {  	[smem:$0x3FB5] =	sst s0;
	s0 =	simm.s32 @!p2 $0x0  }
0x16: {  	s3 =	sld [smem:$0x3FDB];
	s0 =	simm.s32 @p2 $0x1  }
0x17: {  	s4 =	simm.s32 $0x1BF5;
	[smem:$0x3FB7] =	sst s0  }
0x18: {  	s0 =	sld [smem:$0x3F9A];
	_ =	swait.ge [sflag:s4], $0x0  }
0x19: {  	s7 =	sld [smem:$0x3F9B]  }
0x1a: {  	s8 =	sadd.s32 $0xFFFFE003, lr  }
0x1b: {  	s9 =	sadd.s32 $0xFFFFFEF7, lr;
	s5 =	simm.s32 $0xFFFFFFFF;
	p2 =	slt.u32 s8, $0xFFFFF086  }
0x1c: {  	p1 =	slt.u32 s9, $0xF7A;
	s5 =	simm.s32 @!p2 $0x0  }
0x1d: {  	s5 =	simm.s32 @p1 $0x1;
	p0 =	seq.s32 s7, s2  }
0x1e: {  	s7 =	smul.u32 @!p0 $0xF7A, s2;
	p2 =	seq.s32 @!p0 s5, $0x0  }
0x1f: {  	s9 =	smul.u32 $0xF7A, s1;
	s8 =	simm.s32 @!p0 $0x1BF5;
	p2 =	por !p2, p0  }
0x20: {  	[sflag:s8] =	ssyncset.s32 @!p0 $0xFFFFF086;
	s6 =	sadd.s32 @!p0 s3, s7;
	s7 =	simm.s32 @!p0 $0x108  }
0x21: {  	s3 =	sadd.s32 s3, s9;
	s6 =	sadd.s32 @!p0 $0x88, s6;
	s7 =	simm.s32 @p2 $0x1082  }
0x22: {  	[simem:s7], [sflag:s8] =	dma.local @!p0 [hbm:s6], $0xF7A  }
0x23: {  	s9 =	sor.u32 $0xD0000000, s2;
	s6 =	simm.s32 $0x108;
	_ =	swait.ge @!p0 [sflag:s8], $0x0  }
0x24: {  	s3 =	sadd.s32 $0x88, s3;
	s6 =	simm.s32 @!p1 $0x1082;
	[sflag:s4] =	ssyncset.s32 $0xFFFFF086  }
0x25: {  	[simem:s6], [sflag:s4] =	dma.local [hbm:s3], $0xF7A  }
0x26: {  	[smem:$0x3F9B] =	sst s1;
	(tag) =	ssettag s2;
	_ =	strace s9  }
0x27: {  	s1 =	sld [smem:$0x3FAB]  }
0x28: {  	s2 =	sld [smem:$0x3FAC]  }
0x29: {  	s4 =	sld [smem:$0x3FAE]  }
0x2a: {  	p0 =	seq.s32 s5, $0x0;
	s5 =	sld [smem:$0x3FAF]  }
0x2b: {  	s6 =	sld [smem:$0x3FB0]  }
0x2c: {  	s7 =	sld [smem:$0x3FB1]  }
0x2d: {  	s3 =	simm.s32 $0x108;
	s8 =	sld [smem:$0x3FB2]  }
0x2e: {  	s3 =	simm.s32 @!p0 $0x1082;
	s9 =	sld [smem:$0x3FB3]  }
0x2f: {  	lr =	sadd.s32 s0, s3;
	s0 =	sld [smem:$0x3FAA]  }
0x30: {  	s3 =	sld [smem:$0x3FAD]  }
0x31: {  	[smem:$0x3FB6] =	sst s10  }
0x32: {  	s10 =	sld [smem:$0x3FB4];
	_ =	sdelay $0x3  }
0x33: {  	p0 =	seq.s32 s10, $0x1;
	s10 =	sld [smem:$0x3FB6];
	_ =	sdelay $0x3  }
0x34: {  	[smem:$0x3FB6] =	sst s10  }
0x35: {  	s10 =	sld [smem:$0x3FB5];
	_ =	sdelay $0x3  }
0x36: {  	p1 =	seq.s32 s10, $0x1;
	s10 =	sld [smem:$0x3FB6];
	_ =	sdelay $0x3  }
0x37: {  	[smem:$0x3FB6] =	sst s10  }
0x38: {  	s10 =	sld [smem:$0x3FB7]  }
0x39: {  	_ = 	snop;
	(pc) =	sbr.ind lr, $3  }
0x3a: {  	_ = 	snop  }
0x3b: {  	_ = 	snop  }
0x3c: {  	p2 =	seq.s32 s10, $0x1;
	s10 =	sld [smem:$0x3FB6]  }
0x3d: {  	_ =	shalt  }
0x3e: {  	_ =	shalt  }
0x3f: {  	_ =	shalt  }
0x40: {  	_ =	shalt  }
0x41: {  	_ =	shalt  }
0x42: {  	_ =	shalt  }
0x43: {  	_ =	shalt  }
0x44: {  	_ =	shalt  }
0x45: {  	_ =	shalt  }
0x46: {  	_ =	shalt  }
0x47: {  	_ =	shalt  }
0x48: {  	_ =	shalt  }
0x49: {  	_ =	shalt  }
0x4a: {  	_ =	shalt  }
0x4b: {  	_ =	shalt  }
0x4c: {  	_ =	shalt  }
0x4d: {  	_ =	shalt  }
0x4e: {  	_ =	shalt  }
0x4f: {  	_ =	shalt  }
0x50: {  	_ =	shalt  }
0x51: {  	_ =	shalt  }
0x52: {  	_ =	shalt  }
0x53: {  	_ =	shalt  }
0x54: {  	_ =	shalt  }
0x55: {  	_ =	shalt  }
0x56: {  	_ =	shalt  }
0x57: {  	_ =	shalt  }
0x58: {  	_ =	shalt  }
0x59: {  	_ =	shalt  }
0x5a: {  	_ =	shalt  }
0x5b: {  	_ =	shalt  }
0x5c: {  	_ =	shalt  }
0x5d: {  	_ =	shalt  }
0x5e: {  	_ =	shalt  }
0x5f: {  	_ =	shalt  }
0x60: {  	_ =	shalt  }
0x61: {  	_ =	shalt  }
0x62: {  	_ =	shalt  }
0x63: {  	_ =	shalt  }
0x64: {  	_ =	shalt  }
0x65: {  	_ =	shalt  }
0x66: {  	_ =	shalt  }
0x67: {  	_ =	shalt  }
0x68: {  	_ =	shalt  }
0x69: {  	_ =	shalt  }
0x6a: {  	_ =	shalt  }
0x6b: {  	_ =	shalt  }
0x6c: {  	_ =	shalt  }
0x6d: {  	_ =	shalt  }
0x6e: {  	_ =	shalt  }
0x6f: {  	_ =	shalt  }
0x70: {  	_ =	shalt  }
0x71: {  	_ =	shalt  }
0x72: {  	_ =	shalt  }
0x73: {  	_ =	shalt  }
0x74: {  	_ =	shalt  }
0x75: {  	_ =	shalt  }
0x76: {  	_ =	shalt  }
0x77: {  	_ =	shalt  }
0x78: {  	_ =	shalt  }
0x79: {  	_ =	shalt  }
0x7a: {  	_ =	shalt  }
0x7b: {  	_ =	shalt  }
0x7c: {  	_ =	shalt  }
0x7d: {  	_ =	shalt  }
0x7e: {  	_ =	shalt  }
0x7f: {  	_ =	shalt  }
0x80: {  	_ =	shalt  }
0x81: {  	_ =	shalt  }
0x82: {  	_ =	shalt  }
0x83: {  	_ =	shalt  }
0x84: {  	_ =	shalt  }
0x85: {  	_ =	shalt  }
0x86: {  	_ =	shalt  }
0x87: {  	_ =	shalt  }
.Lfunc_end0:
.L_simem_size_0:
called_computation_lowered:
.L_overlay_start_0:
0x88: {  	s2 =	sld [smem:$0x3FD9]  }
0x89: {  	s3 =	sld [smem:$0x3FFE];
	_ =	sdelay $0x1  }
0x8a: {  	s1 =	srdreg.scid  }
0x8b: {  	s0 =	sand.u32 $0x1, s1  }
0x8c: {  	s17 =	sshll.u32 s0, $0xA;
	s2 =	sadd.s32 s3, s2  }
0x8d: {  	s2 =	sadd.s32 s2, s17  }
0x8e: {  	[smem:$0x3FC2] =	sst s2  }
0x8f: {  	_ = 	snop  }
0x90: {  	s2 =	sld [smem:$0x3FD0];
	(tm) =	ssettm $0x1  }
0x91: {  	s18 =	sld [smem:$0x3FFB];
	_ =	sdelay $0x3  }
0x92: {  	_ =	strace s18  }
0x93: {  	s3 =	sld [smem:$0x3FFC];
	_ =	sdelay $0x3  }
0x94: {  	_ =	strace s3  }
0x95: {  	s3 =	sld [smem:$0x3FFD];
	_ =	sdelay $0x3  }
0x96: {  	_ =	strace s3  }
0x97: {  	_ =	strace $0x8FFFFFFF  }
0x98: {  	s19 =	sld [smem:$0x3FDB];
	_ =	sdelay $0x1  }
0x99: {  	s4 =	simm.s32 $_scs_section_size  }
0x9a: {  	s5 =	simm.s32 $_size__tile_overlayer_lowered;
	s6 =	simm.s32 $_tile_overlayer_lowered  }
0x9b: {  	s22 =	simm.s32 $0x1BFF;
	s21 =	sshll.u32 s6, $0x1;
	s3 =	sadd.s32 s4, s19  }
0x9c: {  	s7 =	simm.s32 $0x0;
	s20 =	sshll.u32 s5, $0x1;
	s5 =	sadd.s32 s21, s3  }
0x9d: {  	[timem:s7], [sflag:s22] =	dma.local [hbm:s5], s20  }
0x9e: {  	_ =	swait.ge [sflag:s22], s20  }
0x9f: {  	s4 =	ssub.s32 $0x0, s20;
	[sflag:s22] =	ssyncset.done $0x0  }
0xa0: {  	[sflag:s22] =	ssyncadd.s32 s4;
	_ =	sdelay $0x1  }
0xa1: {  	s23 =	simm.s32 $0x1B8B  }
0xa2: {  	_ =	swait.ge [sflag:s23], $0x1  }
0xa3: {  	[sflag:s23] =	ssyncset.done $0x0  }
0xa4: {  	s25 =	simm.s32 $0x1B8E;
	s24 =	sld [smem:$0x3FFE];
	[sflag:s23] =	ssyncadd.s32 $0xFFFFFFFF  }
0xa5: {  	s26 =	simm.s32 $execute0_lowered;
	[smem:$0x3FD2] =	sst s25  }
0xa6: {  	s5 =	sshll.u32 s26, $0x1;
	_ =	strace $0x80000046;
	[dreg:$0x1] =	wrdreg $0xFFFFFFFF  }
0xa7: {  	s28 =	simm.s32 $_size_execute0_lowered;
	s3 =	sadd.s32 s3, s5;
	[dreg:$0x0] =	wrdreg $0x0  }
0xa8: {  	s5 =	sshll.u32 s28, $0x1;
	[dreg:$0x2] =	wrdreg s3  }
0xa9: {  	[dreg:$0x3] =	wrdreg s5  }
0xaa: {  	[dreg:$0x4] =	wrdreg $0xC0  }
0xab: {  	_ =	task [dreg:s7], $0x5FFFF  }
0xac: {  	[dreg:$0x1] =	wrdreg $0xFFFFFFFF  }
0xad: {  	[dreg:$0x0] =	wrdreg $0x60  }
0xae: {  	[dreg:$0x2] =	wrdreg s2  }
0xaf: {  	[dreg:$0x3] =	wrdreg s24  }
0xb0: {  	[dreg:$0x4] =	wrdreg $0x2C100  }
0xb1: {  	[dreg:$0x5] =	wrdreg $0x9  }
0xb2: {  	_ =	task.clear_ibuf [dreg:s7], $0x6FFFF;
	_ =	strace $0x90000046  }
0xb3: {  	s29 =	simm.s32 $0x9;
	_ =	strace $0x80000048  }
0xb4: {  	_ =	swait.ge [sflag:s29], $0x1  }
0xb5: {  	[sflag:s29] =	ssyncadd.s32 $0xFFFFFFFF  }
0xb6: {  	_ =	strace $0x90000048  }
0xb7: {  	_ =	sfence  }
0xb8: {  	s30 =	sld [smem:$0x0];
	_ =	sdelay $0x2  }
0xb9: {  	s31 =	sshll.u32 s1, $0xD;
	s1 =	sshrl.u32 s1, $0x2  }
0xba: {  	s3 =	sand.u32 $0x4000, s31;
	s1 =	sadd.s32 s1, s30  }
0xbb: {  	s0 =	sor.u32 s3, s0;
	s1 =	sshll.u32 s1, $0x11  }
0xbc: {  	s0 =	sor.u32 s1, s0  }
0xbd: {  	s0 =	sadd.s32 $0x8F2B, s0  }
0xbe: {  	[sflag:s0] =	ssyncadd.remote.s32 $0x1  }
0xbf: {  	_ =	sfence.sel $0xFFFF  }
0xc0: {  	[dreg:$0x0] =	wrdreg $0xFFFFFFFF;
	(pc) =	sbr.abs _section_cstart, $3  }
0xc1: {  	[dreg:$0x1] =	wrdreg $0xFFFFFFFF  }
0xc2: {  	_ =	task.clear_ibuf [dreg:s7], $0x2FFFF;
	_ =	strace $0x9FFFFFFF  }
0xc3: {  	(tm) =	ssettm $0x7FFFFFFF  }
tec
execute0_lowered:
.L_overlay_start_1:
0x0: {  	(tag) =	ssettag $0x1  }
0x1: {  	s4 =	rddreg [dreg:$0x0]  }
0x2: {  	s6 =	rddreg [dreg:$0x1]  }
0x3: {  	s1 =	rddreg [dreg:$0x2];
	s12 =	stileid.u32  }
0x4: {  	s2 =	srdreg.scid;
	s0 =	rddreg [dreg:$0x3];
	s16 =	simm.s32 $0x1  }
0x5: {  	s17 =	simm.s32 $0x0;
	s5 =	sand.u32 $0x1, s2;
	s3 =	sshll.u32 s12, $0x1  }
0x6: {  	s2 =	simm.s32 $0x0;
	s7 =	smul.u32 $0x2700, s12;
	s13 =	sadd.s32 $0x7000, s6  }
0x7: {  	s15 =	sadd.s32 $0x27000, s1;
	p0 =	sne.s32 s12, $0x0;
	s12 =	sshll.u32 s12, $0x6  }
0x8: {  	s3 =	sor.u32 s5, s3;
	[smem:$0x7FF] =	sst s2;
	s31 =	smul.u32 $0x27100, s5  }
0x9: {  	s10 =	ssub.s32 $0x2, s5;
	s12 =	sor.u32 $0x1C02, s12;
	s8 =	smul.u32 $0x2710, s3  }
0xa: {  	_ =	strace $0x80000047;
	s3 =	sadd.s32 $0x6E00, s6;
	s9 =	sshrl.u32 s7, $0x3  }
0xb: {  	s11 =	sshrl.u32 s10, $0x1;
	s14 =	sadd.s32 s7, s1;
	s9 =	sadd.s32 s9, s6  }
0xc: {  	s10 =	ssub.s32 s10, s11;
	s7 =	sadd.s32 s7, s31;
	s6 =	sadd.s32 $0x6C00, s6  }
0xd: {  	s11 =	simm.s32 $0x2;
	s8 =	sshrl.u32 s8, $0x3;
	s5 =	sadd.s32 $0x1E00, s9  }
0xe: {  	s7 =	sshrl.u32 s7, $0x3;
	s9 =	smax.u32 s10, $0x1;
	s10 =	simm.s32 $0x2710  }
0xf: {  	s4 =	sadd.s32 s4, s8;
	s8 =	sshrl.u32 s31, $0x3;
	s7 =	sadd.s32 s13, s7  }
0x10: {  	s4 =	sadd.s32 $0x9C40, s4;
	s8 =	sadd.s32 s13, s8;
	s13 =	sshrl.u32 s14, $0x3  }
0x11: {  	s14 =	sshrl.u32 @!p0 s15, $0x3;
	s15 =	simm.s32 $0x50;
	s8 =	sadd.s32 $0x4E00, s8  }
.LBB2_1:
0x12: {  	[tilespmem:s10], [sflag:$0x2] =	stream.linear.gather [hbm4b:s3+s2], $0x500, $0x38;
	[tilespmem:$0x5320] =	vst v63  }
0x13: {  	_ =	swait.ge [sflag:s11], $0x500  }
0x14: {  	[sflag:s11] =	ssyncset.done $0x0  }
0x15: {  	[sflag:s11] =	ssyncadd.s32 $0xFFFFFB00  }
0x16: {  	[tilespmem:s2], [sflag:$0x2] =	stream.linear.gather [hbm4b:s4+s2], $0x2710, $0x38;
	[tilespmem:$0x5320] =	vst v63  }
0x17: {  	_ =	swait.ge [sflag:s11], $0x2710  }
0x18: {  	[sflag:s11] =	ssyncset.done $0x0  }
0x19: {  	[sflag:s11] =	ssyncadd.s32 $0xFFFFD8F0  }
0x1a: {  	[spmem:s13], [sflag:s12] =	dma.local [hbm:s5], $0x4E0  }
0x1b: {  	_ =	swait.ge [sflag:s11], $0x4E0  }
0x1c: {  	[sflag:s11] =	ssyncset.done $0x0  }
0x1d: {  	s18 =	simm.s32 @!p0 $0x2;
	[sflag:s11] =	ssyncadd.s32 $0xFFFFFB20  }
0x1e: {  	[spmem:s14], [sflag:s12] =	dma.local @!p0 [hbm:s6], $0x20  }
0x1f: {  	_ =	swait.ge @!p0 [sflag:s18], $0x20  }
0x20: {  	[sflag:s18] =	ssyncset.done @!p0 $0x0  }
0x21: {  	[sflag:s18] =	ssyncadd.s32 @!p0 $0xFFFFFFE0  }
0x22: {  	s18 =	simm.s32 $0x0;
	[bflag:$0x0] =	sbarrier.arrive $0xFFFF  }
.LBB2_2:
0x23: {  	p1 =	sne.s32 s18, $0x9B00  }
.Ltmp0:
0x24: {  	_ = 	snop;
	(pc) =	sbr.rel @p1 .LBB2_2-.Ltmp0, $3  }
0x25: {  	_ =	sdelay $0x1  }
0x26: {  	s19 =	sshra.s32 s18, $0x2;
	s18 =	sadd.s32 $0x140, s18  }
0x27: {  	[spmem:s1] =	stream.indirect.scatter.add.f32 [tilespmem:s10], [sflag:$0x1], $0x10, s19, s15, $0xb8;
	[tilespmem:$0x5320] =	vst v63  }
0x28: {  	_ =	swait.ge [sflag:s16], $0x500  }
0x29: {  	s18 =	simm.s32 $0x7C;
	[sflag:s16] =	ssyncset.done $0x0  }
.LBB2_4:
0x2a: {  	p1 =	sne.s32 s18, $0x1;
	s18 =	sadd.s32 $0xFFFFFFFF, s18;
	[sflag:s16] =	ssyncadd.s32 $0xFFFFFB00  }
.Ltmp1:
0x2b: {  	(pc) =	sbr.rel @p1 .LBB2_4-.Ltmp1, $3  }
0x2c: {  	_ =	sdelay $0x1  }
0x2d: {  	_ =	swait.ge [sflag:s16], $0x500  }
0x2e: {  	[sflag:s16] =	ssyncset.done $0x0  }
0x2f: {  	[sflag:s16] =	ssyncadd.s32 $0xFFFFFB00  }
0x30: {  	[bflag:$0x0] =	sbarrier.arrive $0xFFFF  }
0x31: {  	[hbm:s7], [sflag:s12] =	dma.local [spmem:s13], $0x4E0  }
0x32: {  	s17 =	sadd.s32 $0x1, s17;
	_ =	swait.ge [sflag:s11], $0x4E0  }
0x33: {  	p1 =	sne.s32 s17, s9;
	[sflag:s11] =	ssyncset.done $0x0  }
.Ltmp2:
0x34: {  	s18 =	simm.s32 @!p0 $0x2;
	[sflag:s11] =	ssyncadd.s32 $0xFFFFFB20;
	(pc) =	sbr.rel @p1 .LBB2_1-.Ltmp2, $4  }
0x35: {  	[hbm:s8], [sflag:s12] =	dma.local @!p0 [spmem:s14], $0x20  }
0x36: {  	_ =	swait.ge @!p0 [sflag:s18], $0x20  }
0x37: {  	[sflag:s18] =	ssyncset.done @!p0 $0x0  }
0x38: {  	[sflag:s18] =	ssyncadd.s32 @!p0 $0xFFFFFFE0  }
0x39: {  	_ =	sfence.sel $0x180000  }
0x3a: {  	[bflag:$0x0] =	sbarrier.arrive $0xFFFF  }
0x3b: {  	_ =	strace $0x90000047  }
0x3c: {  	s0 =	sadd.s32 @!p0 $0x100000, s0;
	[bflag:$0x2] =	sbarrier.arrive $0xFFFF  }
0x3d: {  	[sflag:s0] =	ssyncadd.tile.s32 @!p0 $0x1;
	_ =	shalt  }
.Lfunc_end2:
_tile_overlayer_lowered:
.L_overlay_start_2:
0x3e: {  	(tag) =	ssettag $0x2  }
0x3f: {  	s0 =	rddreg [dreg:$0x0];
	s2 =	stileid.u32  }
0x40: {  	s1 =	rddreg [dreg:$0x1];
	p0 =	sne.s32 s2, $0x0  }
0x41: {  	s3 =	rddreg [dreg:$0x2];
	[bflag:$0x3] =	sbarrier.arrive $0xFFFF;
	s2 =	simm.s32 @!p0 $0x1C02  }
0x42: {  	[timem:s3], [sflag:s2] =	dma.local @!p0 [hbm:s0], s1  }
0x43: {  	s0 =	simm.s32 @!p0 $0x2  }
0x44: {  	_ =	swait.ge @!p0 [sflag:s0], s1  }
0x45: {  	s1 =	ssub.s32 @!p0 $0x0, s1;
	[sflag:s0] =	ssyncset.done @!p0 $0x0  }
0x46: {  	[sflag:s0] =	ssyncadd.s32 @!p0 s1  }
0x47: {  	[bflag:$0x3] =	sbarrier.arrive $0xFFFF  }
0x48: {  	_ =	shalt  }

</sc_bundles>
